<compile_context>
chip_gen: v7x
topology: tpu7x:2x2x1
jax: 0.10.2.dev20260603
libtpu: 0.0.44.dev20260713+nightly
codegen_flags: <defaults>
</compile_context>

<pallas_src>
import jax
import jax.numpy as jnp
from jax.experimental import pallas as pl
from jax.experimental.pallas import tpu as pltpu
from jax.experimental.pallas import tpu_sc as plsc

B, K, C, H, W = 8, 20000, 64, 256, 256
HW = H * W
NT = 1264
LCAP = 1280
GB = 128
CHUNK = 16384
NDUMP = 64
F2P23 = 8388608.0


def _sc_body(feat_hbm, xy_hbm, base_hbm, xy_v, idlist, rowlist, gbuf,
             scat_idx, zero_v, cmap):
    c = jax.lax.axis_index("c")
    s = jax.lax.axis_index("s")
    lanes = jax.lax.iota(jnp.int32, 16)
    zeros16 = jnp.zeros((16,), jnp.int32)
    ones16 = jnp.ones((16,), jnp.int32)

    def _z(r, carry):
        for c4 in range(4):
            zero_v[r, pl.ds(c4 * 16, 16)] = jnp.zeros((16,), jnp.float32)
        return carry
    jax.lax.fori_loop(0, 64, _z, 0)

    def batch_body(b, carry):
        off = jnp.minimum(s * NT, K - NT)
        inv = s * NT - off
        gbase = b * K + off

        pltpu.sync_copy(xy_hbm.at[pl.ds(gbase, NT), :], xy_v.at[pl.ds(0, NT)])

        def _pf(i, carry2):
            idlist[pl.ds(i * 16, 16)] = b * K + (((i * 16 + lanes) * 7) & 8191)
            rowlist[pl.ds(i * 16, 16)] = CHUNK + ((i + lanes) & (NDUMP - 1))
            return carry2
        jax.lax.fori_loop(0, 2 * LCAP // 16, _pf, 0)

        def _ix(v, cur):
            rows = lanes + v * 16
            x = plsc.load_gather(xy_v, [rows, zeros16])
            y = plsc.load_gather(xy_v, [rows, ones16])
            xr = (x + F2P23) - F2P23
            yr = (y + F2P23) - F2P23
            xi = jnp.clip(xr, 0.0, 255.0).astype(jnp.int32)
            yi = jnp.clip(yr, 0.0, 255.0).astype(jnp.int32)
            g = yi * 256 + xi
            valid = (rows >= inv) & (rows < NT)
            g = jnp.where(valid, g, -1)
            gid = gbase + rows
            new_cur = []
            for ci in range(2):
                cb = (c * 2 + ci) * CHUNK
                loc = g - cb
                m = (loc >= 0) & (loc < CHUNK)
                cnt = plsc.all_reduce_population_count(m)[0]
                dst = ci * LCAP + cur[ci]
                plsc.store_compressed(idlist.at[pl.ds(dst, 16)], gid, mask=m)
                plsc.store_compressed(rowlist.at[pl.ds(dst, 16)], loc, mask=m)
                new_cur.append(cur[ci] + cnt)
            return tuple(new_cur)
        counts = jax.lax.fori_loop(0, NT // 16 + 1, _ix,
                                   (jnp.int32(0), jnp.int32(0)))

        for ci in range(2):
            cb = (c * 2 + ci) * CHUNK
            nblk = (counts[ci] + (GB - 1)) // GB

            def _zz(z, carry2):
                pltpu.sync_copy(zero_v, cmap.at[pl.ds(s * 1024 + z * 64, 64)])
                return carry2
            jax.lax.fori_loop(0, 16, _zz, 0)
            plsc.subcore_barrier()

            def _blk(j, carry2):
                sofs = ci * LCAP + j * GB
                pltpu.sync_copy(feat_hbm.at[idlist.at[pl.ds(sofs, GB)]], gbuf)
                def _cp(k, c3):
                    scat_idx[pl.ds(k * 16, 16)] = rowlist[pl.ds(sofs + k * 16,
                                                                16)]
                    return c3
                jax.lax.fori_loop(0, GB // 16, _cp, 0)
                pltpu.sync_copy(gbuf, cmap.at[scat_idx], add=True)
                return carry2
            jax.lax.fori_loop(0, nblk, _blk, 0)
            plsc.subcore_barrier()

            def _wo(rr4, carry3):
                rr = s * 4 + rr4
                dst = (cb // 2) + rr * 128
                pltpu.sync_copy(cmap.at[pl.ds(rr * 256, 128)],
                                base_hbm.at[b, pl.ds(dst, 128), pl.ds(0, C)])
                pltpu.sync_copy(cmap.at[pl.ds(rr * 256 + 128, 128)],
                                base_hbm.at[b, pl.ds(dst, 128), pl.ds(C, C)])
                return carry3
            jax.lax.fori_loop(0, 4, _wo, 0)
            plsc.subcore_barrier()
        return carry
    jax.lax.fori_loop(0, B, batch_body, 0)


def _rasterize_sc(node_feat, node_xy):
    f = pl.kernel(
        _sc_body,
        out_type=jax.ShapeDtypeStruct((B, HW // 2, 2 * C), jnp.float32),
        mesh=plsc.VectorSubcoreMesh(core_axis_name="c", subcore_axis_name="s"),
        compiler_params=pltpu.CompilerParams(needs_layout_passes=False,
                                             use_tc_tiling_on_sc=False),
        scratch_types=[
            pltpu.VMEM((LCAP, 2), jnp.float32),
            pltpu.VMEM((2 * LCAP,), jnp.int32),
            pltpu.VMEM((2 * LCAP,), jnp.int32),
            pltpu.VMEM((GB, C), jnp.float32),
            pltpu.VMEM((GB,), jnp.int32),
            pltpu.VMEM((64, C), jnp.float32),
            pltpu.VMEM_SHARED((CHUNK + NDUMP, C), jnp.float32),
        ],
    )
    return f(node_feat.reshape(B * K, C), node_xy.reshape(B * K, 2))


def _mm_body(w_ref, x_ref, o_ref):
    dn = (((1,), (1,)), ((), ()))
    for r in range(8):
        xb = x_ref[0, pl.ds(r * 128, 128), :]
        a = jax.lax.dot_general(w_ref[0], xb, dn,
                                preferred_element_type=jnp.float32)
        b = jax.lax.dot_general(w_ref[1], xb, dn,
                                preferred_element_type=jnp.float32)
        o_ref[0, :, r, :] = jnp.concatenate([a, b], axis=1)


def _conv1x1(base, W_obj):
    z = jnp.zeros((C, C), jnp.float32)
    wlh = jnp.stack([jnp.concatenate([W_obj, z], axis=1),
                     jnp.concatenate([z, W_obj], axis=1)])
    return pl.pallas_call(
        _mm_body,
        grid=(B, 32),
        in_specs=[
            pl.BlockSpec((2, C, 2 * C), lambda b, p: (0, 0, 0)),
            pl.BlockSpec((1, 1024, 2 * C), lambda b, p: (b, p, 0)),
        ],
        out_specs=pl.BlockSpec((1, C, 8, W), lambda b, p: (b, 0, p, 0)),
        out_shape=jax.ShapeDtypeStruct((B, C, H, W), jnp.float32),
    )(wlh, base)


@jax.jit
def kernel(node_feat, node_xy, hw, W_obj):
    del hw
    base = _rasterize_sc(node_feat, node_xy)
    return _conv1x1(base, W_obj)

# --- scband reference (transcript-rebuilt; emitter-appended) ---
"""Pipeline reference for scband-graph2-map-fusion-85134841741351 (READ-ONLY COPY).

The authoritative reference and input builder live on the scoring server;
editing this copy changes nothing except your own understanding.
"""

import jax, jax.numpy as jnp
import numpy as np


def setup_inputs(seed: int = 0) -> dict:
    key = jax.random.key(seed)
    k1, k2, k3 = jax.random.split(key, 3)
    B, K, C, H, W = 8, 20000, 64, 256, 256
    node_feat = jax.random.normal(k1, (B, K, C), dtype=jnp.float32)
    # uniform xy scaled to the map extent (torch harness clamps out-of-range anyway)
    node_xy = jax.random.uniform(k2, (B, K, 2), dtype=jnp.float32) * jnp.array([W - 1, H - 1], dtype=jnp.float32)
    hw = jnp.array([H, W], dtype=jnp.int32)
    # kaiming_normal_ fan_out for 1x1 conv: std = sqrt(2 / out_channels)
    W_obj = jax.random.normal(k3, (C, C), dtype=jnp.float32) * np.sqrt(2.0 / C)
    return {"node_feat": node_feat, "node_xy": node_xy, "hw": hw, "W_obj": W_obj}


def _rasterize(node_feat, node_xy, H, W, H_static, W_static):
    # node_feat: [B, K, C], node_xy: [B, K, 2] -> [B, C, H, W] via scatter-add
    B, K, C = node_feat.shape
    xs = jnp.clip(jnp.round(node_xy[..., 0]), 0, W - 1).astype(jnp.int32)
    ys = jnp.clip(jnp.round(node_xy[..., 1]), 0, H - 1).astype(jnp.int32)
    idx = ys * W + xs  # [B, K]
    out = jnp.zeros((B, H_static * W_static, C), dtype=node_feat.dtype)
    bidx = jnp.arange(B)[:, None]
    out = out.at[bidx, idx].add(node_feat)  # scatter-add over pixels
    return out.reshape(B, H_static, W_static, C).transpose(0, 3, 1, 2)


def reference(node_feat, node_xy, hw, W_obj):
    H = hw[0]
    W = hw[1]
    # rasterize is under @torch.no_grad in the original module
    base = jax.lax.stop_gradient(_rasterize(node_feat, node_xy, H, W, 256, 256))
    # splat_sigma == 0 -> no 3x3 splat; 1x1 conv (no bias) == channel einsum
    return jnp.einsum('oc,bchw->bohw', W_obj, base)

if __name__ == "__main__":
    import jax
    _d = setup_inputs()
    print(jax.jit(kernel)(*tuple(_d.values())))

</pallas_src>

<mosaic_0001>
#map = affine_map<(d0, d1) -> (0, 0)>
#map1 = affine_map<(d0, d1) -> (0, 0, 0)>
module attributes {stable_mosaic.version = 14 : i64} {
  func.func @_sc_body(%arg0: i32, %arg1: i32, %arg2: memref<160000x64xf32, #tpu.memory_space<hbm>>, %arg3: memref<160000x2xf32, #tpu.memory_space<hbm>>, %arg4: memref<8x32768x128xf32, #tpu.memory_space<hbm>>, %arg5: memref<1280x2xf32, #tpu.memory_space<vmem>>, %arg6: memref<2560xi32, #tpu.memory_space<vmem>>, %arg7: memref<2560xi32, #tpu.memory_space<vmem>>, %arg8: memref<128x64xf32, #tpu.memory_space<vmem>>, %arg9: memref<128xi32, #tpu.memory_space<vmem>>, %arg10: memref<64x64xf32, #tpu.memory_space<vmem>>, %arg11: memref<16448x64xf32, #tpu.memory_space<vmem_shared>>) attributes {dimension_semantics = [#tpu.dimension_semantics<core_parallel>, #tpu.dimension_semantics<subcore_parallel>], iteration_bounds = array<i64: 2, 16>, scalar_prefetch = 0 : i64, scratch_operands = 7 : i64, tpu.core_type = #tpu.core_type<sc_vector_subcore>, window_params = [{transform_indices = #map}, {transform_indices = #map}, {transform_indices = #map1}]} {
    %iota3A = tpu.iota {dimensions = array<i32: 0>} : vector<16xi32>
    %broadcast_in_dim3A = arith.constant 0 : i32
    %broadcast_in_dim3A_0 = vector.broadcast %broadcast_in_dim3A : i32 to vector<16xi32>
    %broadcast_in_dim3A_1 = arith.constant 1 : i32
    %broadcast_in_dim3A_2 = vector.broadcast %broadcast_in_dim3A_1 : i32 to vector<16xi32>
    %scan3A = arith.constant 0 : i32
    %scan3A_3 = arith.constant 0 : i32
    %scan3A_4 = arith.constant 64 : i32
    %scan3A_5 = arith.addi %scan3A_3, %scan3A_4 : i32
    %scan3A_6 = arith.constant 1 : i32
    scf.for %scan3A_14 = %scan3A_3 to %scan3A_5 step %scan3A_6  : i32 {
      %broadcast_in_dim3A_15 = arith.constant 0.000000e+00 : f32
      %broadcast_in_dim3A_16 = vector.broadcast %broadcast_in_dim3A_15 : f32 to vector<16xf32>
      %swap3A = arith.index_cast %scan3A_14 : i32 to index
      %swap3A_17 = arith.constant 0 : index
      %swap3A_18 = tpu.vector_load %arg10[%swap3A, %swap3A_17] {strides = array<i32>} : memref<64x64xf32, #tpu.memory_space<vmem>>, vector<16xf32>,
      tpu.vector_store %arg10[%swap3A, %swap3A_17], %broadcast_in_dim3A_16 {strides = array<i32>} : memref<64x64xf32, #tpu.memory_space<vmem>>, vector<16xf32>,
      %broadcast_in_dim3A_19 = arith.constant 0.000000e+00 : f32
      %broadcast_in_dim3A_20 = vector.broadcast %broadcast_in_dim3A_19 : f32 to vector<16xf32>
      %swap3A_21 = arith.index_cast %scan3A_14 : i32 to index
      %swap3A_22 = arith.constant 16 : index
      %swap3A_23 = tpu.vector_load %arg10[%swap3A_21, %swap3A_22] {strides = array<i32>} : memref<64x64xf32, #tpu.memory_space<vmem>>, vector<16xf32>,
      tpu.vector_store %arg10[%swap3A_21, %swap3A_22], %broadcast_in_dim3A_20 {strides = array<i32>} : memref<64x64xf32, #tpu.memory_space<vmem>>, vector<16xf32>,
      %broadcast_in_dim3A_24 = arith.constant 0.000000e+00 : f32
      %broadcast_in_dim3A_25 = vector.broadcast %broadcast_in_dim3A_24 : f32 to vector<16xf32>
      %swap3A_26 = arith.index_cast %scan3A_14 : i32 to index
      %swap3A_27 = arith.constant 32 : index
      %swap3A_28 = tpu.vector_load %arg10[%swap3A_26, %swap3A_27] {strides = array<i32>} : memref<64x64xf32, #tpu.memory_space<vmem>>, vector<16xf32>,
      tpu.vector_store %arg10[%swap3A_26, %swap3A_27], %broadcast_in_dim3A_25 {strides = array<i32>} : memref<64x64xf32, #tpu.memory_space<vmem>>, vector<16xf32>,
      %broadcast_in_dim3A_29 = arith.constant 0.000000e+00 : f32
      %broadcast_in_dim3A_30 = vector.broadcast %broadcast_in_dim3A_29 : f32 to vector<16xf32>
      %swap3A_31 = arith.index_cast %scan3A_14 : i32 to index
      %swap3A_32 = arith.constant 48 : index
      %swap3A_33 = tpu.vector_load %arg10[%swap3A_31, %swap3A_32] {strides = array<i32>} : memref<64x64xf32, #tpu.memory_space<vmem>>, vector<16xf32>,
      tpu.vector_store %arg10[%swap3A_31, %swap3A_32], %broadcast_in_dim3A_30 {strides = array<i32>} : memref<64x64xf32, #tpu.memory_space<vmem>>, vector<16xf32>,
    }
    %scan3A_7 = arith.constant 64 : i32
    %scan3A_8 = arith.constant 0 : i32
    %scan3A_9 = arith.constant 0 : i32
    %scan3A_10 = arith.constant 8 : i32
    %scan3A_11 = arith.addi %scan3A_9, %scan3A_10 : i32
    %scan3A_12 = arith.constant 1 : i32
    scf.for %scan3A_14 = %scan3A_9 to %scan3A_11 step %scan3A_12  : i32 {
      %mul3A = arith.constant 1264 : i32
      %mul3A_15 = arith.muli %arg1, %mul3A : i32
      %min3A = arith.constant 18736 : i32
      %min3A_16 = arith.minsi %mul3A_15, %min3A : i32
      %mul3A_17 = arith.constant 1264 : i32
      %mul3A_18 = arith.muli %arg1, %mul3A_17 : i32
      %sub3A = arith.subi %mul3A_18, %min3A_16 : i32
      %mul3A_19 = arith.constant 20000 : i32
      %mul3A_20 = arith.muli %scan3A_14, %mul3A_19 : i32
      %add3A = arith.addi %mul3A_20, %min3A_16 : i32
      "tpu.region"() ({
        %run_scoped3A = tpu.sem_alloc : memref<!tpu.dma_semaphore, #tpu.memory_space<semaphore_mem>>
        %dma_start3A = arith.constant 0 : i32
        %dma_start3A_140 = arith.constant 0 : i32
        %dma_start3A_141 = tpu.memref_slice %arg5[%dma_start3A, %dma_start3A_140] : memref<1280x2xf32, #tpu.memory_space<vmem>> -> memref<1264x2xf32, #tpu.memory_space<vmem>>
        %dma_start3A_142 = arith.constant 0 : i32
        %dma_start3A_143 = tpu.memref_slice %arg3[%add3A, %dma_start3A_142] : memref<160000x2xf32, #tpu.memory_space<hbm>> -> memref<1264x2xf32, #tpu.memory_space<hbm>>
        %dma_start3A_144 = arith.constant 0 : i32
        %dma_start3A_145 = arith.constant 0 : i32
        %dma_start3A_146 = tpu.memref_slice %arg5[%dma_start3A_144, %dma_start3A_145] : memref<1280x2xf32, #tpu.memory_space<vmem>> -> memref<1264x2xf32, #tpu.memory_space<vmem>>
        %dma_start3A_147 = arith.constant 0 : i32
        %dma_start3A_148 = tpu.memref_slice %arg3[%add3A, %dma_start3A_147] : memref<160000x2xf32, #tpu.memory_space<hbm>> -> memref<1264x2xf32, #tpu.memory_space<hbm>>
        tpu.enqueue_dma source(%dma_start3A_148 : memref<1264x2xf32, #tpu.memory_space<hbm>>) target(%dma_start3A_146 : memref<1264x2xf32, #tpu.memory_space<vmem>>) target_semaphore(%run_scoped3A : memref<!tpu.dma_semaphore, #tpu.memory_space<semaphore_mem>>)
        %dma_wait3A = arith.constant 0 : i32
        %dma_wait3A_149 = arith.constant 0 : i32
        %dma_wait3A_150 = tpu.memref_slice %arg5[%dma_wait3A, %dma_wait3A_149] : memref<1280x2xf32, #tpu.memory_space<vmem>> -> memref<1264x2xf32, #tpu.memory_space<vmem>>
        %dma_wait3A_151 = arith.constant 0 : i32
        %dma_wait3A_152 = tpu.memref_slice %arg3[%add3A, %dma_wait3A_151] : memref<160000x2xf32, #tpu.memory_space<hbm>> -> memref<1264x2xf32, #tpu.memory_space<hbm>>
        %dma_wait3A_153 = arith.constant 0 : i32
        %dma_wait3A_154 = arith.constant 0 : i32
        %dma_wait3A_155 = tpu.memref_slice %arg5[%dma_wait3A_153, %dma_wait3A_154] : memref<1280x2xf32, #tpu.memory_space<vmem>> -> memref<1264x2xf32, #tpu.memory_space<vmem>>
        %dma_wait3A_156 = arith.constant 0 : i32
        %dma_wait3A_157 = tpu.memref_slice %arg3[%add3A, %dma_wait3A_156] : memref<160000x2xf32, #tpu.memory_space<hbm>> -> memref<1264x2xf32, #tpu.memory_space<hbm>>
        tpu.wait_dma2 semaphore(%run_scoped3A : memref<!tpu.dma_semaphore, #tpu.memory_space<semaphore_mem>>) src(%dma_wait3A_157 : memref<1264x2xf32, #tpu.memory_space<hbm>>) dst(%dma_wait3A_155 : memref<1264x2xf32, #tpu.memory_space<vmem>>)
        tpu.yield
      }) : () -> ()
      %scan3A_21 = arith.constant 0 : i32
      %scan3A_22 = arith.constant 0 : i32
      %scan3A_23 = arith.constant 160 : i32
      %scan3A_24 = arith.addi %scan3A_22, %scan3A_23 : i32
      %scan3A_25 = arith.constant 1 : i32
      scf.for %scan3A_140 = %scan3A_22 to %scan3A_24 step %scan3A_25  : i32 {
        %mul3A_141 = arith.constant 20000 : i32
        %mul3A_142 = arith.muli %scan3A_14, %mul3A_141 : i32
        %mul3A_143 = arith.constant 16 : i32
        %mul3A_144 = arith.muli %scan3A_140, %mul3A_143 : i32
        %add3A_145 = vector.broadcast %mul3A_144 : i32 to vector<16xi32>
        %add3A_146 = arith.addi %add3A_145, %iota3A : vector<16xi32>
        %mul3A_147 = arith.constant 7 : i32
        %mul3A_148 = vector.broadcast %mul3A_147 : i32 to vector<16xi32>
        %mul3A_149 = arith.muli %add3A_146, %mul3A_148 : vector<16xi32>
        %and3A_150 = arith.constant 8191 : i32
        %and3A_151 = vector.broadcast %and3A_150 : i32 to vector<16xi32>
        %and3A_152 = arith.andi %mul3A_149, %and3A_151 : vector<16xi32>
        %add3A_153 = vector.broadcast %mul3A_142 : i32 to vector<16xi32>
        %add3A_154 = arith.addi %add3A_153, %and3A_152 : vector<16xi32>
        %mul3A_155 = arith.constant 16 : i32
        %mul3A_156 = arith.muli %scan3A_140, %mul3A_155 : i32
        %swap3A = arith.index_cast %mul3A_156 : i32 to index
        %swap3A_157 = tpu.vector_load %arg6[%swap3A] {strides = array<i32>} : memref<2560xi32, #tpu.memory_space<vmem>>, vector<16xi32>,
        tpu.vector_store %arg6[%swap3A], %add3A_154 {strides = array<i32>} : memref<2560xi32, #tpu.memory_space<vmem>>, vector<16xi32>,
        %add3A_158 = vector.broadcast %scan3A_140 : i32 to vector<16xi32>
        %add3A_159 = arith.addi %add3A_158, %iota3A : vector<16xi32>
        %and3A_160 = arith.constant 63 : i32
        %and3A_161 = vector.broadcast %and3A_160 : i32 to vector<16xi32>
        %and3A_162 = arith.andi %add3A_159, %and3A_161 : vector<16xi32>
        %add3A_163 = arith.constant 16384 : i32
        %add3A_164 = vector.broadcast %add3A_163 : i32 to vector<16xi32>
        %add3A_165 = arith.addi %add3A_164, %and3A_162 : vector<16xi32>
        %mul3A_166 = arith.constant 16 : i32
        %mul3A_167 = arith.muli %scan3A_140, %mul3A_166 : i32
        %swap3A_168 = arith.index_cast %mul3A_167 : i32 to index
        %swap3A_169 = tpu.vector_load %arg7[%swap3A_168] {strides = array<i32>} : memref<2560xi32, #tpu.memory_space<vmem>>, vector<16xi32>,
        tpu.vector_store %arg7[%swap3A_168], %add3A_165 {strides = array<i32>} : memref<2560xi32, #tpu.memory_space<vmem>>, vector<16xi32>,
      }
      %scan3A_26 = arith.constant 160 : i32
      %scan3A_27 = arith.constant 0 : i32
      %scan3A_28 = arith.constant 0 : i32
      %scan3A_29 = arith.constant 0 : i32
      %scan3A_30 = arith.constant 80 : i32
      %scan3A_31 = arith.addi %scan3A_29, %scan3A_30 : i32
      %scan3A_32 = arith.constant 1 : i32
      %scan3A_33:2 = scf.for %scan3A_140 = %scan3A_29 to %scan3A_31 step %scan3A_32 iter_args(%scan3A_141 = %scan3A_27, %scan3A_142 = %scan3A_28) -> (i32, i32)  : i32 {
        %mul3A_143 = arith.constant 16 : i32
        %mul3A_144 = arith.muli %scan3A_140, %mul3A_143 : i32
        %add3A_145 = vector.broadcast %mul3A_144 : i32 to vector<16xi32>
        %add3A_146 = arith.addi %iota3A, %add3A_145 : vector<16xi32>
        %gather3A = tpu.vector_load_idx %arg5[%add3A_146, %broadcast_in_dim3A_0] : memref<1280x2xf32, #tpu.memory_space<vmem>>[vector<16xi32>, vector<16xi32>], vector<16xf32>,
        %gather3A_147 = tpu.vector_load_idx %arg5[%add3A_146, %broadcast_in_dim3A_2] : memref<1280x2xf32, #tpu.memory_space<vmem>>[vector<16xi32>, vector<16xi32>], vector<16xf32>,
        %add3A_148 = arith.constant 0x4B000000 : f32
        %add3A_149 = vector.broadcast %add3A_148 : f32 to vector<16xf32>
        %add3A_150 = arith.addf %gather3A, %add3A_149 : vector<16xf32>
        %sub3A_151 = arith.constant 0x4B000000 : f32
        %sub3A_152 = vector.broadcast %sub3A_151 : f32 to vector<16xf32>
        %sub3A_153 = arith.subf %add3A_150, %sub3A_152 : vector<16xf32>
        %add3A_154 = arith.constant 0x4B000000 : f32
        %add3A_155 = vector.broadcast %add3A_154 : f32 to vector<16xf32>
        %add3A_156 = arith.addf %gather3A_147, %add3A_155 : vector<16xf32>
        %sub3A_157 = arith.constant 0x4B000000 : f32
        %sub3A_158 = vector.broadcast %sub3A_157 : f32 to vector<16xf32>
        %sub3A_159 = arith.subf %add3A_156, %sub3A_158 : vector<16xf32>
        %jit3A_160 = arith.constant 0.000000e+00 : f32
        %jit3A_161 = arith.constant 2.550000e+02 : f32
        %max3A = vector.broadcast %jit3A_160 : f32 to vector<16xf32>
        %max3A_162 = arith.maximumf %max3A, %sub3A_153 : vector<16xf32>
        %min3A_163 = vector.broadcast %jit3A_161 : f32 to vector<16xf32>
        %min3A_164 = arith.minimumf %min3A_163, %max3A_162 : vector<16xf32>
        %convert_element_type3A = arith.fptosi %min3A_164 : vector<16xf32> to vector<16xi32>
        %jit3A_165 = arith.constant 0.000000e+00 : f32
        %jit3A_166 = arith.constant 2.550000e+02 : f32
        %max3A_167 = vector.broadcast %jit3A_165 : f32 to vector<16xf32>
        %max3A_168 = arith.maximumf %max3A_167, %sub3A_159 : vector<16xf32>
        %min3A_169 = vector.broadcast %jit3A_166 : f32 to vector<16xf32>
        %min3A_170 = arith.minimumf %min3A_169, %max3A_168 : vector<16xf32>
        %convert_element_type3A_171 = arith.fptosi %min3A_170 : vector<16xf32> to vector<16xi32>
        %mul3A_172 = arith.constant 256 : i32
        %mul3A_173 = vector.broadcast %mul3A_172 : i32 to vector<16xi32>
        %mul3A_174 = arith.muli %convert_element_type3A_171, %mul3A_173 : vector<16xi32>
        %add3A_175 = arith.addi %mul3A_174, %convert_element_type3A : vector<16xi32>
        %ge3A = vector.broadcast %sub3A : i32 to vector<16xi32>
        %ge3A_176 = arith.cmpi sge, %add3A_146, %ge3A : vector<16xi32>
        %lt3A = arith.constant 1264 : i32
        %lt3A_177 = vector.broadcast %lt3A : i32 to vector<16xi32>
        %lt3A_178 = arith.cmpi slt, %add3A_146, %lt3A_177 : vector<16xi32>
        %and3A_179 = arith.andi %ge3A_176, %lt3A_178 : vector<16xi1>
        %jit3A_180 = arith.constant -1 : i32
        %broadcast_in_dim3A_181 = vector.broadcast %jit3A_180 : i32 to vector<16xi32>
        %select_n3A_182 = arith.select %and3A_179, %add3A_175, %broadcast_in_dim3A_181 : vector<16xi1>, vector<16xi32>
        %add3A_183 = vector.broadcast %add3A : i32 to vector<16xi32>
        %add3A_184 = arith.addi %add3A_183, %add3A_146 : vector<16xi32>
        %mul3A_185 = arith.constant 2 : i32
        %mul3A_186 = arith.muli %arg0, %mul3A_185 : i32
        %add3A_187 = arith.constant 0 : i32
        %add3A_188 = arith.addi %mul3A_186, %add3A_187 : i32
        %mul3A_189 = arith.constant 16384 : i32
        %mul3A_190 = arith.muli %add3A_188, %mul3A_189 : i32
        %sub3A_191 = vector.broadcast %mul3A_190 : i32 to vector<16xi32>
        %sub3A_192 = arith.subi %select_n3A_182, %sub3A_191 : vector<16xi32>
        %ge3A_193 = arith.constant 0 : i32
        %ge3A_194 = vector.broadcast %ge3A_193 : i32 to vector<16xi32>
        %ge3A_195 = arith.cmpi sge, %sub3A_192, %ge3A_194 : vector<16xi32>
        %lt3A_196 = arith.constant 16384 : i32
        %lt3A_197 = vector.broadcast %lt3A_196 : i32 to vector<16xi32>
        %lt3A_198 = arith.cmpi slt, %sub3A_192, %lt3A_197 : vector<16xi32>
        %and3A_199 = arith.andi %ge3A_195, %lt3A_198 : vector<16xi1>
        %all_reduce_population_count3A = tpu.all_reduce %and3A_199 {dim = 0 : i64, kind = #tpu.reduction_kind<sum>} : vector<16xi1> -> vector<16xi32>
        %slice3A = vector.extract_strided_slice %all_reduce_population_count3A {offsets = [0], sizes = [1], strides = [1]} : vector<16xi32> to vector<1xi32>
        %squeeze3A = vector.extract %slice3A[0] : i32 from vector<1xi32>
        %add3A_200 = arith.constant 0 : i32
        %add3A_201 = arith.addi %add3A_200, %scan3A_141 : i32
        %swap3A = arith.index_cast %add3A_201 : i32 to index
        %swap3A_202 = tpu.vector_load %arg6[%swap3A] masked %and3A_199 {strides = array<i32>} : memref<2560xi32, #tpu.memory_space<vmem>>, vector<16xi32>, vector<16xi1>
        tpu.vector_store %arg6[%swap3A], %add3A_184 masked %and3A_199 {strides = array<i32>} : memref<2560xi32, #tpu.memory_space<vmem>>, vector<16xi32>, vector<16xi1>
        %swap3A_203 = arith.index_cast %add3A_201 : i32 to index
        %swap3A_204 = tpu.vector_load %arg7[%swap3A_203] masked %and3A_199 {strides = array<i32>} : memref<2560xi32, #tpu.memory_space<vmem>>, vector<16xi32>, vector<16xi1>
        tpu.vector_store %arg7[%swap3A_203], %sub3A_192 masked %and3A_199 {strides = array<i32>} : memref<2560xi32, #tpu.memory_space<vmem>>, vector<16xi32>, vector<16xi1>
        %add3A_205 = arith.addi %scan3A_141, %squeeze3A : i32
        %mul3A_206 = arith.constant 2 : i32
        %mul3A_207 = arith.muli %arg0, %mul3A_206 : i32
        %add3A_208 = arith.constant 1 : i32
        %add3A_209 = arith.addi %mul3A_207, %add3A_208 : i32
        %mul3A_210 = arith.constant 16384 : i32
        %mul3A_211 = arith.muli %add3A_209, %mul3A_210 : i32
        %sub3A_212 = vector.broadcast %mul3A_211 : i32 to vector<16xi32>
        %sub3A_213 = arith.subi %select_n3A_182, %sub3A_212 : vector<16xi32>
        %ge3A_214 = arith.constant 0 : i32
        %ge3A_215 = vector.broadcast %ge3A_214 : i32 to vector<16xi32>
        %ge3A_216 = arith.cmpi sge, %sub3A_213, %ge3A_215 : vector<16xi32>
        %lt3A_217 = arith.constant 16384 : i32
        %lt3A_218 = vector.broadcast %lt3A_217 : i32 to vector<16xi32>
        %lt3A_219 = arith.cmpi slt, %sub3A_213, %lt3A_218 : vector<16xi32>
        %and3A_220 = arith.andi %ge3A_216, %lt3A_219 : vector<16xi1>
        %all_reduce_population_count3A_221 = tpu.all_reduce %and3A_220 {dim = 0 : i64, kind = #tpu.reduction_kind<sum>} : vector<16xi1> -> vector<16xi32>
        %slice3A_222 = vector.extract_strided_slice %all_reduce_population_count3A_221 {offsets = [0], sizes = [1], strides = [1]} : vector<16xi32> to vector<1xi32>
        %squeeze3A_223 = vector.extract %slice3A_222[0] : i32 from vector<1xi32>
        %add3A_224 = arith.constant 1280 : i32
        %add3A_225 = arith.addi %add3A_224, %scan3A_142 : i32
        %swap3A_226 = arith.index_cast %add3A_225 : i32 to index
        %swap3A_227 = tpu.vector_load %arg6[%swap3A_226] masked %and3A_220 {strides = array<i32>} : memref<2560xi32, #tpu.memory_space<vmem>>, vector<16xi32>, vector<16xi1>
        tpu.vector_store %arg6[%swap3A_226], %add3A_184 masked %and3A_220 {strides = array<i32>} : memref<2560xi32, #tpu.memory_space<vmem>>, vector<16xi32>, vector<16xi1>
        %swap3A_228 = arith.index_cast %add3A_225 : i32 to index
        %swap3A_229 = tpu.vector_load %arg7[%swap3A_228] masked %and3A_220 {strides = array<i32>} : memref<2560xi32, #tpu.memory_space<vmem>>, vector<16xi32>, vector<16xi1>
        tpu.vector_store %arg7[%swap3A_228], %sub3A_213 masked %and3A_220 {strides = array<i32>} : memref<2560xi32, #tpu.memory_space<vmem>>, vector<16xi32>, vector<16xi1>
        %add3A_230 = arith.addi %scan3A_142, %squeeze3A_223 : i32
        scf.yield %add3A_205, %add3A_230 : i32, i32
      }
      %scan3A_34 = arith.constant 80 : i32
      %mul3A_35 = arith.constant 2 : i32
      %mul3A_36 = arith.muli %arg0, %mul3A_35 : i32
      %add3A_37 = arith.constant 0 : i32
      %add3A_38 = arith.addi %mul3A_36, %add3A_37 : i32
      %mul3A_39 = arith.constant 16384 : i32
      %mul3A_40 = arith.muli %add3A_38, %mul3A_39 : i32
      %add3A_41 = arith.constant 127 : i32
      %add3A_42 = arith.addi %scan3A_33#0, %add3A_41 : i32
      %jit3A = arith.constant 128 : i32
      %div3A = arith.divsi %add3A_42, %jit3A : i32
      %sign3A = arith.constant 0 : i32
      %sign3A_43 = arith.cmpi sgt, %add3A_42, %sign3A : i32
      %sign3A_44 = arith.extui %sign3A_43 : i1 to i32
      %sign3A_45 = arith.constant 0 : i32
      %sign3A_46 = arith.cmpi slt, %add3A_42, %sign3A_45 : i32
      %sign3A_47 = arith.extui %sign3A_46 : i1 to i32
      %sign3A_48 = arith.subi %sign3A_44, %sign3A_47 : i32
      %sign3A_49 = arith.constant 0 : i32
      %sign3A_50 = arith.cmpi sgt, %jit3A, %sign3A_49 : i32
      %sign3A_51 = arith.extui %sign3A_50 : i1 to i32
      %sign3A_52 = arith.constant 0 : i32
      %sign3A_53 = arith.cmpi slt, %jit3A, %sign3A_52 : i32
      %sign3A_54 = arith.extui %sign3A_53 : i1 to i32
      %sign3A_55 = arith.subi %sign3A_51, %sign3A_54 : i32
      %ne3A = arith.cmpi ne, %sign3A_48, %sign3A_55 : i32
      %rem3A = arith.remsi %add3A_42, %jit3A : i32
      %ne3A_56 = arith.constant 0 : i32
      %ne3A_57 = arith.cmpi ne, %rem3A, %ne3A_56 : i32
      %and3A = arith.andi %ne3A, %ne3A_57 : i1
      %sub3A_58 = arith.constant 1 : i32
      %sub3A_59 = arith.subi %div3A, %sub3A_58 : i32
      %select_n3A = arith.select %and3A, %sub3A_59, %div3A : i32
      %scan3A_60 = arith.constant 0 : i32
      %scan3A_61 = arith.constant 0 : i32
      %scan3A_62 = arith.constant 16 : i32
      %scan3A_63 = arith.addi %scan3A_61, %scan3A_62 : i32
      %scan3A_64 = arith.constant 1 : i32
      scf.for %scan3A_140 = %scan3A_61 to %scan3A_63 step %scan3A_64  : i32 {
        %mul3A_141 = arith.constant 1024 : i32
        %mul3A_142 = arith.muli %arg1, %mul3A_141 : i32
        %mul3A_143 = arith.constant 64 : i32
        %mul3A_144 = arith.muli %scan3A_140, %mul3A_143 : i32
        %add3A_145 = arith.addi %mul3A_142, %mul3A_144 : i32
        "tpu.region"() ({
          %run_scoped3A = tpu.sem_alloc : memref<!tpu.dma_semaphore, #tpu.memory_space<semaphore_mem>>
          %dma_start3A = arith.constant 0 : i32
          %dma_start3A_146 = tpu.memref_slice %arg11[%add3A_145, %dma_start3A] : memref<16448x64xf32, #tpu.memory_space<vmem_shared>> -> memref<64x64xf32, #tpu.memory_space<vmem_shared>>
          %dma_start3A_147 = arith.constant 0 : i32
          %dma_start3A_148 = tpu.memref_slice %arg11[%add3A_145, %dma_start3A_147] : memref<16448x64xf32, #tpu.memory_space<vmem_shared>> -> memref<64x64xf32, #tpu.memory_space<vmem_shared>>
          tpu.enqueue_dma source(%arg10 : memref<64x64xf32, #tpu.memory_space<vmem>>) target(%dma_start3A_148 : memref<64x64xf32, #tpu.memory_space<vmem_shared>>) target_semaphore(%run_scoped3A : memref<!tpu.dma_semaphore, #tpu.memory_space<semaphore_mem>>)
          %dma_wait3A = arith.constant 0 : i32
          %dma_wait3A_149 = tpu.memref_slice %arg11[%add3A_145, %dma_wait3A] : memref<16448x64xf32, #tpu.memory_space<vmem_shared>> -> memref<64x64xf32, #tpu.memory_space<vmem_shared>>
          %dma_wait3A_150 = arith.constant 0 : i32
          %dma_wait3A_151 = tpu.memref_slice %arg11[%add3A_145, %dma_wait3A_150] : memref<16448x64xf32, #tpu.memory_space<vmem_shared>> -> memref<64x64xf32, #tpu.memory_space<vmem_shared>>
          tpu.wait_dma2 semaphore(%run_scoped3A : memref<!tpu.dma_semaphore, #tpu.memory_space<semaphore_mem>>) src(%arg10 : memref<64x64xf32, #tpu.memory_space<vmem>>) dst(%dma_wait3A_151 : memref<64x64xf32, #tpu.memory_space<vmem_shared>>)
          tpu.yield
        }) : () -> ()
      }
      %scan3A_65 = arith.constant 16 : i32
      %barrier3A = arith.constant 0 : index
      tpu.barrier barrier_id(%barrier3A)
      %while3A = arith.constant 0 : i32
      %while3A_66 = arith.constant 0 : i32
      %while3A_67 = arith.subi %select_n3A, %while3A_66 : i32
      %while3A_68 = arith.addi %while3A_66, %while3A_67 : i32
      %while3A_69 = arith.constant 1 : i32
      %while3A_70 = arith.divsi %while3A_67, %while3A_69 : i32
      %while3A_71 = arith.muli %while3A_70, %while3A_69 : i32
      %while3A_72 = arith.addi %while3A_66, %while3A_71 : i32
      %while3A_73 = arith.constant 1 : i32
      scf.for %while3A_140 = %while3A_66 to %while3A_72 step %while3A_73  : i32 {
        %mul3A_141 = arith.constant 128 : i32
        %mul3A_142 = arith.muli %while3A_140, %mul3A_141 : i32
        %add3A_143 = arith.constant 0 : i32
        %add3A_144 = arith.addi %add3A_143, %mul3A_142 : i32
        "tpu.region"() ({
          %run_scoped3A = tpu.sem_alloc : memref<!tpu.dma_semaphore, #tpu.memory_space<semaphore_mem>>
          %dma_start3A = tpu.memref_slice %arg6[%add3A_144] : memref<2560xi32, #tpu.memory_space<vmem>> -> memref<128xi32, #tpu.memory_space<vmem>>
          %dma_start3A_151 = arith.constant 0 : i32
          %dma_start3A_152 = arith.constant 0 : i32
          %dma_start3A_153 = tpu.memref_slice %arg2[%dma_start3A_151, %dma_start3A_152] : memref<160000x64xf32, #tpu.memory_space<hbm>> -> memref<160000x64xf32, #tpu.memory_space<hbm>>
          tpu.enqueue_indirect_dma source(%dma_start3A_153 : memref<160000x64xf32, #tpu.memory_space<hbm>>) target(%arg8 : memref<128x64xf32, #tpu.memory_space<vmem>>) offsets(%dma_start3A : memref<128xi32, #tpu.memory_space<vmem>>) semaphore(%run_scoped3A : memref<!tpu.dma_semaphore, #tpu.memory_space<semaphore_mem>>)
          %dma_wait3A = tpu.memref_slice %arg6[%add3A_144] : memref<2560xi32, #tpu.memory_space<vmem>> -> memref<128xi32, #tpu.memory_space<vmem>>
          %dma_wait3A_154 = arith.constant 0 : i32
          %dma_wait3A_155 = arith.constant 0 : i32
          %dma_wait3A_156 = tpu.memref_slice %arg2[%dma_wait3A_154, %dma_wait3A_155] : memref<160000x64xf32, #tpu.memory_space<hbm>> -> memref<160000x64xf32, #tpu.memory_space<hbm>>
          tpu.wait_indirect_dma semaphore(%run_scoped3A : memref<!tpu.dma_semaphore, #tpu.memory_space<semaphore_mem>>) src(%dma_wait3A_156 : memref<160000x64xf32, #tpu.memory_space<hbm>>) dst(%arg8 : memref<128x64xf32, #tpu.memory_space<vmem>>)
          tpu.yield
        }) : () -> ()
        %scan3A_145 = arith.constant 0 : i32
        %scan3A_146 = arith.constant 0 : i32
        %scan3A_147 = arith.constant 8 : i32
        %scan3A_148 = arith.addi %scan3A_146, %scan3A_147 : i32
        %scan3A_149 = arith.constant 1 : i32
        scf.for %scan3A_151 = %scan3A_146 to %scan3A_148 step %scan3A_149  : i32 {
          %mul3A_152 = arith.constant 16 : i32
          %mul3A_153 = arith.muli %scan3A_151, %mul3A_152 : i32
          %add3A_154 = arith.addi %add3A_144, %mul3A_153 : i32
          %get3A = arith.index_cast %add3A_154 : i32 to index
          %get3A_155 = tpu.vector_load %arg7[%get3A] {strides = array<i32>} : memref<2560xi32, #tpu.memory_space<vmem>>, vector<16xi32>,
          %mul3A_156 = arith.constant 16 : i32
          %mul3A_157 = arith.muli %scan3A_151, %mul3A_156 : i32
          %swap3A = arith.index_cast %mul3A_157 : i32 to index
          %swap3A_158 = tpu.vector_load %arg9[%swap3A] {strides = array<i32>} : memref<128xi32, #tpu.memory_space<vmem>>, vector<16xi32>,
          tpu.vector_store %arg9[%swap3A], %get3A_155 {strides = array<i32>} : memref<128xi32, #tpu.memory_space<vmem>>, vector<16xi32>,
        }
        %scan3A_150 = arith.constant 8 : i32
        "tpu.region"() ({
          %run_scoped3A = tpu.sem_alloc : memref<!tpu.dma_semaphore, #tpu.memory_space<semaphore_mem>>
          %dma_start3A = arith.constant 0 : i32
          %dma_start3A_151 = arith.constant 0 : i32
          %dma_start3A_152 = tpu.memref_slice %arg11[%dma_start3A, %dma_start3A_151] : memref<16448x64xf32, #tpu.memory_space<vmem_shared>> -> memref<16448x64xf32, #tpu.memory_space<vmem_shared>>
          tpu.enqueue_indirect_dma source(%arg8 : memref<128x64xf32, #tpu.memory_space<vmem>>) target(%dma_start3A_152 : memref<16448x64xf32, #tpu.memory_space<vmem_shared>>) offsets(%arg9 : memref<128xi32, #tpu.memory_space<vmem>>) semaphore(%run_scoped3A : memref<!tpu.dma_semaphore, #tpu.memory_space<semaphore_mem>>) {add = true}
          %dma_wait3A = arith.constant 0 : i32
          %dma_wait3A_153 = arith.constant 0 : i32
          %dma_wait3A_154 = tpu.memref_slice %arg11[%dma_wait3A, %dma_wait3A_153] : memref<16448x64xf32, #tpu.memory_space<vmem_shared>> -> memref<16448x64xf32, #tpu.memory_space<vmem_shared>>
          tpu.wait_indirect_dma semaphore(%run_scoped3A : memref<!tpu.dma_semaphore, #tpu.memory_space<semaphore_mem>>) src(%arg8 : memref<128x64xf32, #tpu.memory_space<vmem>>) dst(%dma_wait3A_154 : memref<16448x64xf32, #tpu.memory_space<vmem_shared>>)
          tpu.yield
        }) : () -> ()
      }
      %while3A_74 = arith.constant 1 : i32
      scf.for %while3A_140 = %while3A_72 to %while3A_68 step %while3A_74  : i32 {
        %mul3A_141 = arith.constant 128 : i32
        %mul3A_142 = arith.muli %while3A_140, %mul3A_141 : i32
        %add3A_143 = arith.constant 0 : i32
        %add3A_144 = arith.addi %add3A_143, %mul3A_142 : i32
        "tpu.region"() ({
          %run_scoped3A = tpu.sem_alloc : memref<!tpu.dma_semaphore, #tpu.memory_space<semaphore_mem>>
          %dma_start3A = tpu.memref_slice %arg6[%add3A_144] : memref<2560xi32, #tpu.memory_space<vmem>> -> memref<128xi32, #tpu.memory_space<vmem>>
          %dma_start3A_151 = arith.constant 0 : i32
          %dma_start3A_152 = arith.constant 0 : i32
          %dma_start3A_153 = tpu.memref_slice %arg2[%dma_start3A_151, %dma_start3A_152] : memref<160000x64xf32, #tpu.memory_space<hbm>> -> memref<160000x64xf32, #tpu.memory_space<hbm>>
          tpu.enqueue_indirect_dma source(%dma_start3A_153 : memref<160000x64xf32, #tpu.memory_space<hbm>>) target(%arg8 : memref<128x64xf32, #tpu.memory_space<vmem>>) offsets(%dma_start3A : memref<128xi32, #tpu.memory_space<vmem>>) semaphore(%run_scoped3A : memref<!tpu.dma_semaphore, #tpu.memory_space<semaphore_mem>>)
          %dma_wait3A = tpu.memref_slice %arg6[%add3A_144] : memref<2560xi32, #tpu.memory_space<vmem>> -> memref<128xi32, #tpu.memory_space<vmem>>
          %dma_wait3A_154 = arith.constant 0 : i32
          %dma_wait3A_155 = arith.constant 0 : i32
          %dma_wait3A_156 = tpu.memref_slice %arg2[%dma_wait3A_154, %dma_wait3A_155] : memref<160000x64xf32, #tpu.memory_space<hbm>> -> memref<160000x64xf32, #tpu.memory_space<hbm>>
          tpu.wait_indirect_dma semaphore(%run_scoped3A : memref<!tpu.dma_semaphore, #tpu.memory_space<semaphore_mem>>) src(%dma_wait3A_156 : memref<160000x64xf32, #tpu.memory_space<hbm>>) dst(%arg8 : memref<128x64xf32, #tpu.memory_space<vmem>>)
          tpu.yield
        }) : () -> ()
        %scan3A_145 = arith.constant 0 : i32
        %scan3A_146 = arith.constant 0 : i32
        %scan3A_147 = arith.constant 8 : i32
        %scan3A_148 = arith.addi %scan3A_146, %scan3A_147 : i32
        %scan3A_149 = arith.constant 1 : i32
        scf.for %scan3A_151 = %scan3A_146 to %scan3A_148 step %scan3A_149  : i32 {
          %mul3A_152 = arith.constant 16 : i32
          %mul3A_153 = arith.muli %scan3A_151, %mul3A_152 : i32
          %add3A_154 = arith.addi %add3A_144, %mul3A_153 : i32
          %get3A = arith.index_cast %add3A_154 : i32 to index
          %get3A_155 = tpu.vector_load %arg7[%get3A] {strides = array<i32>} : memref<2560xi32, #tpu.memory_space<vmem>>, vector<16xi32>,
          %mul3A_156 = arith.constant 16 : i32
          %mul3A_157 = arith.muli %scan3A_151, %mul3A_156 : i32
          %swap3A = arith.index_cast %mul3A_157 : i32 to index
          %swap3A_158 = tpu.vector_load %arg9[%swap3A] {strides = array<i32>} : memref<128xi32, #tpu.memory_space<vmem>>, vector<16xi32>,
          tpu.vector_store %arg9[%swap3A], %get3A_155 {strides = array<i32>} : memref<128xi32, #tpu.memory_space<vmem>>, vector<16xi32>,
        }
        %scan3A_150 = arith.constant 8 : i32
        "tpu.region"() ({
          %run_scoped3A = tpu.sem_alloc : memref<!tpu.dma_semaphore, #tpu.memory_space<semaphore_mem>>
          %dma_start3A = arith.constant 0 : i32
          %dma_start3A_151 = arith.constant 0 : i32
          %dma_start3A_152 = tpu.memref_slice %arg11[%dma_start3A, %dma_start3A_151] : memref<16448x64xf32, #tpu.memory_space<vmem_shared>> -> memref<16448x64xf32, #tpu.memory_space<vmem_shared>>
          tpu.enqueue_indirect_dma source(%arg8 : memref<128x64xf32, #tpu.memory_space<vmem>>) target(%dma_start3A_152 : memref<16448x64xf32, #tpu.memory_space<vmem_shared>>) offsets(%arg9 : memref<128xi32, #tpu.memory_space<vmem>>) semaphore(%run_scoped3A : memref<!tpu.dma_semaphore, #tpu.memory_space<semaphore_mem>>) {add = true}
          %dma_wait3A = arith.constant 0 : i32
          %dma_wait3A_153 = arith.constant 0 : i32
          %dma_wait3A_154 = tpu.memref_slice %arg11[%dma_wait3A, %dma_wait3A_153] : memref<16448x64xf32, #tpu.memory_space<vmem_shared>> -> memref<16448x64xf32, #tpu.memory_space<vmem_shared>>
          tpu.wait_indirect_dma semaphore(%run_scoped3A : memref<!tpu.dma_semaphore, #tpu.memory_space<semaphore_mem>>) src(%arg8 : memref<128x64xf32, #tpu.memory_space<vmem>>) dst(%dma_wait3A_154 : memref<16448x64xf32, #tpu.memory_space<vmem_shared>>)
          tpu.yield
        }) : () -> ()
      }
      %barrier3A_75 = arith.constant 0 : index
      tpu.barrier barrier_id(%barrier3A_75)
      %scan3A_76 = arith.constant 0 : i32
      %scan3A_77 = arith.constant 0 : i32
      %scan3A_78 = arith.constant 4 : i32
      %scan3A_79 = arith.addi %scan3A_77, %scan3A_78 : i32
      %scan3A_80 = arith.constant 1 : i32
      scf.for %scan3A_140 = %scan3A_77 to %scan3A_79 step %scan3A_80  : i32 {
        %mul3A_141 = arith.constant 4 : i32
        %mul3A_142 = arith.muli %arg1, %mul3A_141 : i32
        %add3A_143 = arith.addi %mul3A_142, %scan3A_140 : i32
        %jit3A_144 = arith.constant 2 : i32
        %div3A_145 = arith.divsi %mul3A_40, %jit3A_144 : i32
        %sign3A_146 = arith.constant 0 : i32
        %sign3A_147 = arith.cmpi sgt, %mul3A_40, %sign3A_146 : i32
        %sign3A_148 = arith.extui %sign3A_147 : i1 to i32
        %sign3A_149 = arith.constant 0 : i32
        %sign3A_150 = arith.cmpi slt, %mul3A_40, %sign3A_149 : i32
        %sign3A_151 = arith.extui %sign3A_150 : i1 to i32
        %sign3A_152 = arith.subi %sign3A_148, %sign3A_151 : i32
        %sign3A_153 = arith.constant 0 : i32
        %sign3A_154 = arith.cmpi sgt, %jit3A_144, %sign3A_153 : i32
        %sign3A_155 = arith.extui %sign3A_154 : i1 to i32
        %sign3A_156 = arith.constant 0 : i32
        %sign3A_157 = arith.cmpi slt, %jit3A_144, %sign3A_156 : i32
        %sign3A_158 = arith.extui %sign3A_157 : i1 to i32
        %sign3A_159 = arith.subi %sign3A_155, %sign3A_158 : i32
        %ne3A_160 = arith.cmpi ne, %sign3A_152, %sign3A_159 : i32
        %rem3A_161 = arith.remsi %mul3A_40, %jit3A_144 : i32
        %ne3A_162 = arith.constant 0 : i32
        %ne3A_163 = arith.cmpi ne, %rem3A_161, %ne3A_162 : i32
        %and3A_164 = arith.andi %ne3A_160, %ne3A_163 : i1
        %sub3A_165 = arith.constant 1 : i32
        %sub3A_166 = arith.subi %div3A_145, %sub3A_165 : i32
        %select_n3A_167 = arith.select %and3A_164, %sub3A_166, %div3A_145 : i32
        %mul3A_168 = arith.constant 128 : i32
        %mul3A_169 = arith.muli %add3A_143, %mul3A_168 : i32
        %add3A_170 = arith.addi %select_n3A_167, %mul3A_169 : i32
        %mul3A_171 = arith.constant 256 : i32
        %mul3A_172 = arith.muli %add3A_143, %mul3A_171 : i32
        "tpu.region"() ({
          %run_scoped3A = tpu.sem_alloc : memref<!tpu.dma_semaphore, #tpu.memory_space<semaphore_mem>>
          %dma_start3A = arith.constant 0 : i32
          %dma_start3A_177 = tpu.memref_slice %arg4[%scan3A_14, %add3A_170, %dma_start3A] : memref<8x32768x128xf32, #tpu.memory_space<hbm>> -> memref<1x128x64xf32, #tpu.memory_space<hbm>>
          %dma_start3A_178 = tpu.memref_squeeze %dma_start3A_177 : memref<1x128x64xf32, #tpu.memory_space<hbm>> -> memref<128x64xf32, #tpu.memory_space<hbm>>
          %dma_start3A_179 = arith.constant 0 : i32
          %dma_start3A_180 = tpu.memref_slice %arg11[%mul3A_172, %dma_start3A_179] : memref<16448x64xf32, #tpu.memory_space<vmem_shared>> -> memref<128x64xf32, #tpu.memory_space<vmem_shared>>
          tpu.enqueue_dma source(%dma_start3A_180 : memref<128x64xf32, #tpu.memory_space<vmem_shared>>) target(%dma_start3A_178 : memref<128x64xf32, #tpu.memory_space<hbm>>) target_semaphore(%run_scoped3A : memref<!tpu.dma_semaphore, #tpu.memory_space<semaphore_mem>>)
          %dma_wait3A = arith.constant 0 : i32
          %dma_wait3A_181 = tpu.memref_slice %arg4[%scan3A_14, %add3A_170, %dma_wait3A] : memref<8x32768x128xf32, #tpu.memory_space<hbm>> -> memref<1x128x64xf32, #tpu.memory_space<hbm>>
          %dma_wait3A_182 = tpu.memref_squeeze %dma_wait3A_181 : memref<1x128x64xf32, #tpu.memory_space<hbm>> -> memref<128x64xf32, #tpu.memory_space<hbm>>
          %dma_wait3A_183 = arith.constant 0 : i32
          %dma_wait3A_184 = tpu.memref_slice %arg11[%mul3A_172, %dma_wait3A_183] : memref<16448x64xf32, #tpu.memory_space<vmem_shared>> -> memref<128x64xf32, #tpu.memory_space<vmem_shared>>
          tpu.wait_dma2 semaphore(%run_scoped3A : memref<!tpu.dma_semaphore, #tpu.memory_space<semaphore_mem>>) src(%dma_wait3A_184 : memref<128x64xf32, #tpu.memory_space<vmem_shared>>) dst(%dma_wait3A_182 : memref<128x64xf32, #tpu.memory_space<hbm>>)
          tpu.yield
        }) : () -> ()
        %mul3A_173 = arith.constant 256 : i32
        %mul3A_174 = arith.muli %add3A_143, %mul3A_173 : i32
        %add3A_175 = arith.constant 128 : i32
        %add3A_176 = arith.addi %mul3A_174, %add3A_175 : i32
        "tpu.region"() ({
          %run_scoped3A = tpu.sem_alloc : memref<!tpu.dma_semaphore, #tpu.memory_space<semaphore_mem>>
          %dma_start3A = arith.constant 64 : i32
          %dma_start3A_177 = tpu.memref_slice %arg4[%scan3A_14, %add3A_170, %dma_start3A] : memref<8x32768x128xf32, #tpu.memory_space<hbm>> -> memref<1x128x64xf32, #tpu.memory_space<hbm>>
          %dma_start3A_178 = tpu.memref_squeeze %dma_start3A_177 : memref<1x128x64xf32, #tpu.memory_space<hbm>> -> memref<128x64xf32, #tpu.memory_space<hbm>>
          %dma_start3A_179 = arith.constant 0 : i32
          %dma_start3A_180 = tpu.memref_slice %arg11[%add3A_176, %dma_start3A_179] : memref<16448x64xf32, #tpu.memory_space<vmem_shared>> -> memref<128x64xf32, #tpu.memory_space<vmem_shared>>
          tpu.enqueue_dma source(%dma_start3A_180 : memref<128x64xf32, #tpu.memory_space<vmem_shared>>) target(%dma_start3A_178 : memref<128x64xf32, #tpu.memory_space<hbm>>) target_semaphore(%run_scoped3A : memref<!tpu.dma_semaphore, #tpu.memory_space<semaphore_mem>>)
          %dma_wait3A = arith.constant 64 : i32
          %dma_wait3A_181 = tpu.memref_slice %arg4[%scan3A_14, %add3A_170, %dma_wait3A] : memref<8x32768x128xf32, #tpu.memory_space<hbm>> -> memref<1x128x64xf32, #tpu.memory_space<hbm>>
          %dma_wait3A_182 = tpu.memref_squeeze %dma_wait3A_181 : memref<1x128x64xf32, #tpu.memory_space<hbm>> -> memref<128x64xf32, #tpu.memory_space<hbm>>
          %dma_wait3A_183 = arith.constant 0 : i32
          %dma_wait3A_184 = tpu.memref_slice %arg11[%add3A_176, %dma_wait3A_183] : memref<16448x64xf32, #tpu.memory_space<vmem_shared>> -> memref<128x64xf32, #tpu.memory_space<vmem_shared>>
          tpu.wait_dma2 semaphore(%run_scoped3A : memref<!tpu.dma_semaphore, #tpu.memory_space<semaphore_mem>>) src(%dma_wait3A_184 : memref<128x64xf32, #tpu.memory_space<vmem_shared>>) dst(%dma_wait3A_182 : memref<128x64xf32, #tpu.memory_space<hbm>>)
          tpu.yield
        }) : () -> ()
      }
      %scan3A_81 = arith.constant 4 : i32
      %barrier3A_82 = arith.constant 0 : index
      tpu.barrier barrier_id(%barrier3A_82)
      %mul3A_83 = arith.constant 2 : i32
      %mul3A_84 = arith.muli %arg0, %mul3A_83 : i32
      %add3A_85 = arith.constant 1 : i32
      %add3A_86 = arith.addi %mul3A_84, %add3A_85 : i32
      %mul3A_87 = arith.constant 16384 : i32
      %mul3A_88 = arith.muli %add3A_86, %mul3A_87 : i32
      %add3A_89 = arith.constant 127 : i32
      %add3A_90 = arith.addi %scan3A_33#1, %add3A_89 : i32
      %jit3A_91 = arith.constant 128 : i32
      %div3A_92 = arith.divsi %add3A_90, %jit3A_91 : i32
      %sign3A_93 = arith.constant 0 : i32
      %sign3A_94 = arith.cmpi sgt, %add3A_90, %sign3A_93 : i32
      %sign3A_95 = arith.extui %sign3A_94 : i1 to i32
      %sign3A_96 = arith.constant 0 : i32
      %sign3A_97 = arith.cmpi slt, %add3A_90, %sign3A_96 : i32
      %sign3A_98 = arith.extui %sign3A_97 : i1 to i32
      %sign3A_99 = arith.subi %sign3A_95, %sign3A_98 : i32
      %sign3A_100 = arith.constant 0 : i32
      %sign3A_101 = arith.cmpi sgt, %jit3A_91, %sign3A_100 : i32
      %sign3A_102 = arith.extui %sign3A_101 : i1 to i32
      %sign3A_103 = arith.constant 0 : i32
      %sign3A_104 = arith.cmpi slt, %jit3A_91, %sign3A_103 : i32
      %sign3A_105 = arith.extui %sign3A_104 : i1 to i32
      %sign3A_106 = arith.subi %sign3A_102, %sign3A_105 : i32
      %ne3A_107 = arith.cmpi ne, %sign3A_99, %sign3A_106 : i32
      %rem3A_108 = arith.remsi %add3A_90, %jit3A_91 : i32
      %ne3A_109 = arith.constant 0 : i32
      %ne3A_110 = arith.cmpi ne, %rem3A_108, %ne3A_109 : i32
      %and3A_111 = arith.andi %ne3A_107, %ne3A_110 : i1
      %sub3A_112 = arith.constant 1 : i32
      %sub3A_113 = arith.subi %div3A_92, %sub3A_112 : i32
      %select_n3A_114 = arith.select %and3A_111, %sub3A_113, %div3A_92 : i32
      %scan3A_115 = arith.constant 0 : i32
      %scan3A_116 = arith.constant 0 : i32
      %scan3A_117 = arith.constant 16 : i32
      %scan3A_118 = arith.addi %scan3A_116, %scan3A_117 : i32
      %scan3A_119 = arith.constant 1 : i32
      scf.for %scan3A_140 = %scan3A_116 to %scan3A_118 step %scan3A_119  : i32 {
        %mul3A_141 = arith.constant 1024 : i32
        %mul3A_142 = arith.muli %arg1, %mul3A_141 : i32
        %mul3A_143 = arith.constant 64 : i32
        %mul3A_144 = arith.muli %scan3A_140, %mul3A_143 : i32
        %add3A_145 = arith.addi %mul3A_142, %mul3A_144 : i32
        "tpu.region"() ({
          %run_scoped3A = tpu.sem_alloc : memref<!tpu.dma_semaphore, #tpu.memory_space<semaphore_mem>>
          %dma_start3A = arith.constant 0 : i32
          %dma_start3A_146 = tpu.memref_slice %arg11[%add3A_145, %dma_start3A] : memref<16448x64xf32, #tpu.memory_space<vmem_shared>> -> memref<64x64xf32, #tpu.memory_space<vmem_shared>>
          %dma_start3A_147 = arith.constant 0 : i32
          %dma_start3A_148 = tpu.memref_slice %arg11[%add3A_145, %dma_start3A_147] : memref<16448x64xf32, #tpu.memory_space<vmem_shared>> -> memref<64x64xf32, #tpu.memory_space<vmem_shared>>
          tpu.enqueue_dma source(%arg10 : memref<64x64xf32, #tpu.memory_space<vmem>>) target(%dma_start3A_148 : memref<64x64xf32, #tpu.memory_space<vmem_shared>>) target_semaphore(%run_scoped3A : memref<!tpu.dma_semaphore, #tpu.memory_space<semaphore_mem>>)
          %dma_wait3A = arith.constant 0 : i32
          %dma_wait3A_149 = tpu.memref_slice %arg11[%add3A_145, %dma_wait3A] : memref<16448x64xf32, #tpu.memory_space<vmem_shared>> -> memref<64x64xf32, #tpu.memory_space<vmem_shared>>
          %dma_wait3A_150 = arith.constant 0 : i32
          %dma_wait3A_151 = tpu.memref_slice %arg11[%add3A_145, %dma_wait3A_150] : memref<16448x64xf32, #tpu.memory_space<vmem_shared>> -> memref<64x64xf32, #tpu.memory_space<vmem_shared>>
          tpu.wait_dma2 semaphore(%run_scoped3A : memref<!tpu.dma_semaphore, #tpu.memory_space<semaphore_mem>>) src(%arg10 : memref<64x64xf32, #tpu.memory_space<vmem>>) dst(%dma_wait3A_151 : memref<64x64xf32, #tpu.memory_space<vmem_shared>>)
          tpu.yield
        }) : () -> ()
      }
      %scan3A_120 = arith.constant 16 : i32
      %barrier3A_121 = arith.constant 0 : index
      tpu.barrier barrier_id(%barrier3A_121)
      %while3A_122 = arith.constant 0 : i32
      %while3A_123 = arith.constant 0 : i32
      %while3A_124 = arith.subi %select_n3A_114, %while3A_123 : i32
      %while3A_125 = arith.addi %while3A_123, %while3A_124 : i32
      %while3A_126 = arith.constant 1 : i32
      %while3A_127 = arith.divsi %while3A_124, %while3A_126 : i32
      %while3A_128 = arith.muli %while3A_127, %while3A_126 : i32
      %while3A_129 = arith.addi %while3A_123, %while3A_128 : i32
      %while3A_130 = arith.constant 1 : i32
      scf.for %while3A_140 = %while3A_123 to %while3A_129 step %while3A_130  : i32 {
        %mul3A_141 = arith.constant 128 : i32
        %mul3A_142 = arith.muli %while3A_140, %mul3A_141 : i32
        %add3A_143 = arith.constant 1280 : i32
        %add3A_144 = arith.addi %add3A_143, %mul3A_142 : i32
        "tpu.region"() ({
          %run_scoped3A = tpu.sem_alloc : memref<!tpu.dma_semaphore, #tpu.memory_space<semaphore_mem>>
          %dma_start3A = tpu.memref_slice %arg6[%add3A_144] : memref<2560xi32, #tpu.memory_space<vmem>> -> memref<128xi32, #tpu.memory_space<vmem>>
          %dma_start3A_151 = arith.constant 0 : i32
          %dma_start3A_152 = arith.constant 0 : i32
          %dma_start3A_153 = tpu.memref_slice %arg2[%dma_start3A_151, %dma_start3A_152] : memref<160000x64xf32, #tpu.memory_space<hbm>> -> memref<160000x64xf32, #tpu.memory_space<hbm>>
          tpu.enqueue_indirect_dma source(%dma_start3A_153 : memref<160000x64xf32, #tpu.memory_space<hbm>>) target(%arg8 : memref<128x64xf32, #tpu.memory_space<vmem>>) offsets(%dma_start3A : memref<128xi32, #tpu.memory_space<vmem>>) semaphore(%run_scoped3A : memref<!tpu.dma_semaphore, #tpu.memory_space<semaphore_mem>>)
          %dma_wait3A = tpu.memref_slice %arg6[%add3A_144] : memref<2560xi32, #tpu.memory_space<vmem>> -> memref<128xi32, #tpu.memory_space<vmem>>
          %dma_wait3A_154 = arith.constant 0 : i32
          %dma_wait3A_155 = arith.constant 0 : i32
          %dma_wait3A_156 = tpu.memref_slice %arg2[%dma_wait3A_154, %dma_wait3A_155] : memref<160000x64xf32, #tpu.memory_space<hbm>> -> memref<160000x64xf32, #tpu.memory_space<hbm>>
          tpu.wait_indirect_dma semaphore(%run_scoped3A : memref<!tpu.dma_semaphore, #tpu.memory_space<semaphore_mem>>) src(%dma_wait3A_156 : memref<160000x64xf32, #tpu.memory_space<hbm>>) dst(%arg8 : memref<128x64xf32, #tpu.memory_space<vmem>>)
          tpu.yield
        }) : () -> ()
        %scan3A_145 = arith.constant 0 : i32
        %scan3A_146 = arith.constant 0 : i32
        %scan3A_147 = arith.constant 8 : i32
        %scan3A_148 = arith.addi %scan3A_146, %scan3A_147 : i32
        %scan3A_149 = arith.constant 1 : i32
        scf.for %scan3A_151 = %scan3A_146 to %scan3A_148 step %scan3A_149  : i32 {
          %mul3A_152 = arith.constant 16 : i32
          %mul3A_153 = arith.muli %scan3A_151, %mul3A_152 : i32
          %add3A_154 = arith.addi %add3A_144, %mul3A_153 : i32
          %get3A = arith.index_cast %add3A_154 : i32 to index
          %get3A_155 = tpu.vector_load %arg7[%get3A] {strides = array<i32>} : memref<2560xi32, #tpu.memory_space<vmem>>, vector<16xi32>,
          %mul3A_156 = arith.constant 16 : i32
          %mul3A_157 = arith.muli %scan3A_151, %mul3A_156 : i32
          %swap3A = arith.index_cast %mul3A_157 : i32 to index
          %swap3A_158 = tpu.vector_load %arg9[%swap3A] {strides = array<i32>} : memref<128xi32, #tpu.memory_space<vmem>>, vector<16xi32>,
          tpu.vector_store %arg9[%swap3A], %get3A_155 {strides = array<i32>} : memref<128xi32, #tpu.memory_space<vmem>>, vector<16xi32>,
        }
        %scan3A_150 = arith.constant 8 : i32
        "tpu.region"() ({
          %run_scoped3A = tpu.sem_alloc : memref<!tpu.dma_semaphore, #tpu.memory_space<semaphore_mem>>
          %dma_start3A = arith.constant 0 : i32
          %dma_start3A_151 = arith.constant 0 : i32
          %dma_start3A_152 = tpu.memref_slice %arg11[%dma_start3A, %dma_start3A_151] : memref<16448x64xf32, #tpu.memory_space<vmem_shared>> -> memref<16448x64xf32, #tpu.memory_space<vmem_shared>>
          tpu.enqueue_indirect_dma source(%arg8 : memref<128x64xf32, #tpu.memory_space<vmem>>) target(%dma_start3A_152 : memref<16448x64xf32, #tpu.memory_space<vmem_shared>>) offsets(%arg9 : memref<128xi32, #tpu.memory_space<vmem>>) semaphore(%run_scoped3A : memref<!tpu.dma_semaphore, #tpu.memory_space<semaphore_mem>>) {add = true}
          %dma_wait3A = arith.constant 0 : i32
          %dma_wait3A_153 = arith.constant 0 : i32
          %dma_wait3A_154 = tpu.memref_slice %arg11[%dma_wait3A, %dma_wait3A_153] : memref<16448x64xf32, #tpu.memory_space<vmem_shared>> -> memref<16448x64xf32, #tpu.memory_space<vmem_shared>>
          tpu.wait_indirect_dma semaphore(%run_scoped3A : memref<!tpu.dma_semaphore, #tpu.memory_space<semaphore_mem>>) src(%arg8 : memref<128x64xf32, #tpu.memory_space<vmem>>) dst(%dma_wait3A_154 : memref<16448x64xf32, #tpu.memory_space<vmem_shared>>)
          tpu.yield
        }) : () -> ()
      }
      %while3A_131 = arith.constant 1 : i32
      scf.for %while3A_140 = %while3A_129 to %while3A_125 step %while3A_131  : i32 {
        %mul3A_141 = arith.constant 128 : i32
        %mul3A_142 = arith.muli %while3A_140, %mul3A_141 : i32
        %add3A_143 = arith.constant 1280 : i32
        %add3A_144 = arith.addi %add3A_143, %mul3A_142 : i32
        "tpu.region"() ({
          %run_scoped3A = tpu.sem_alloc : memref<!tpu.dma_semaphore, #tpu.memory_space<semaphore_mem>>
          %dma_start3A = tpu.memref_slice %arg6[%add3A_144] : memref<2560xi32, #tpu.memory_space<vmem>> -> memref<128xi32, #tpu.memory_space<vmem>>
          %dma_start3A_151 = arith.constant 0 : i32
          %dma_start3A_152 = arith.constant 0 : i32
          %dma_start3A_153 = tpu.memref_slice %arg2[%dma_start3A_151, %dma_start3A_152] : memref<160000x64xf32, #tpu.memory_space<hbm>> -> memref<160000x64xf32, #tpu.memory_space<hbm>>
          tpu.enqueue_indirect_dma source(%dma_start3A_153 : memref<160000x64xf32, #tpu.memory_space<hbm>>) target(%arg8 : memref<128x64xf32, #tpu.memory_space<vmem>>) offsets(%dma_start3A : memref<128xi32, #tpu.memory_space<vmem>>) semaphore(%run_scoped3A : memref<!tpu.dma_semaphore, #tpu.memory_space<semaphore_mem>>)
          %dma_wait3A = tpu.memref_slice %arg6[%add3A_144] : memref<2560xi32, #tpu.memory_space<vmem>> -> memref<128xi32, #tpu.memory_space<vmem>>
          %dma_wait3A_154 = arith.constant 0 : i32
          %dma_wait3A_155 = arith.constant 0 : i32
          %dma_wait3A_156 = tpu.memref_slice %arg2[%dma_wait3A_154, %dma_wait3A_155] : memref<160000x64xf32, #tpu.memory_space<hbm>> -> memref<160000x64xf32, #tpu.memory_space<hbm>>
          tpu.wait_indirect_dma semaphore(%run_scoped3A : memref<!tpu.dma_semaphore, #tpu.memory_space<semaphore_mem>>) src(%dma_wait3A_156 : memref<160000x64xf32, #tpu.memory_space<hbm>>) dst(%arg8 : memref<128x64xf32, #tpu.memory_space<vmem>>)
          tpu.yield
        }) : () -> ()
        %scan3A_145 = arith.constant 0 : i32
        %scan3A_146 = arith.constant 0 : i32
        %scan3A_147 = arith.constant 8 : i32
        %scan3A_148 = arith.addi %scan3A_146, %scan3A_147 : i32
        %scan3A_149 = arith.constant 1 : i32
        scf.for %scan3A_151 = %scan3A_146 to %scan3A_148 step %scan3A_149  : i32 {
          %mul3A_152 = arith.constant 16 : i32
          %mul3A_153 = arith.muli %scan3A_151, %mul3A_152 : i32
          %add3A_154 = arith.addi %add3A_144, %mul3A_153 : i32
          %get3A = arith.index_cast %add3A_154 : i32 to index
          %get3A_155 = tpu.vector_load %arg7[%get3A] {strides = array<i32>} : memref<2560xi32, #tpu.memory_space<vmem>>, vector<16xi32>,
          %mul3A_156 = arith.constant 16 : i32
          %mul3A_157 = arith.muli %scan3A_151, %mul3A_156 : i32
          %swap3A = arith.index_cast %mul3A_157 : i32 to index
          %swap3A_158 = tpu.vector_load %arg9[%swap3A] {strides = array<i32>} : memref<128xi32, #tpu.memory_space<vmem>>, vector<16xi32>,
          tpu.vector_store %arg9[%swap3A], %get3A_155 {strides = array<i32>} : memref<128xi32, #tpu.memory_space<vmem>>, vector<16xi32>,
        }
        %scan3A_150 = arith.constant 8 : i32
        "tpu.region"() ({
          %run_scoped3A = tpu.sem_alloc : memref<!tpu.dma_semaphore, #tpu.memory_space<semaphore_mem>>
          %dma_start3A = arith.constant 0 : i32
          %dma_start3A_151 = arith.constant 0 : i32
          %dma_start3A_152 = tpu.memref_slice %arg11[%dma_start3A, %dma_start3A_151] : memref<16448x64xf32, #tpu.memory_space<vmem_shared>> -> memref<16448x64xf32, #tpu.memory_space<vmem_shared>>
          tpu.enqueue_indirect_dma source(%arg8 : memref<128x64xf32, #tpu.memory_space<vmem>>) target(%dma_start3A_152 : memref<16448x64xf32, #tpu.memory_space<vmem_shared>>) offsets(%arg9 : memref<128xi32, #tpu.memory_space<vmem>>) semaphore(%run_scoped3A : memref<!tpu.dma_semaphore, #tpu.memory_space<semaphore_mem>>) {add = true}
          %dma_wait3A = arith.constant 0 : i32
          %dma_wait3A_153 = arith.constant 0 : i32
          %dma_wait3A_154 = tpu.memref_slice %arg11[%dma_wait3A, %dma_wait3A_153] : memref<16448x64xf32, #tpu.memory_space<vmem_shared>> -> memref<16448x64xf32, #tpu.memory_space<vmem_shared>>
          tpu.wait_indirect_dma semaphore(%run_scoped3A : memref<!tpu.dma_semaphore, #tpu.memory_space<semaphore_mem>>) src(%arg8 : memref<128x64xf32, #tpu.memory_space<vmem>>) dst(%dma_wait3A_154 : memref<16448x64xf32, #tpu.memory_space<vmem_shared>>)
          tpu.yield
        }) : () -> ()
      }
      %barrier3A_132 = arith.constant 0 : index
      tpu.barrier barrier_id(%barrier3A_132)
      %scan3A_133 = arith.constant 0 : i32
      %scan3A_134 = arith.constant 0 : i32
      %scan3A_135 = arith.constant 4 : i32
      %scan3A_136 = arith.addi %scan3A_134, %scan3A_135 : i32
      %scan3A_137 = arith.constant 1 : i32
      scf.for %scan3A_140 = %scan3A_134 to %scan3A_136 step %scan3A_137  : i32 {
        %mul3A_141 = arith.constant 4 : i32
        %mul3A_142 = arith.muli %arg1, %mul3A_141 : i32
        %add3A_143 = arith.addi %mul3A_142, %scan3A_140 : i32
        %jit3A_144 = arith.constant 2 : i32
        %div3A_145 = arith.divsi %mul3A_88, %jit3A_144 : i32
        %sign3A_146 = arith.constant 0 : i32
        %sign3A_147 = arith.cmpi sgt, %mul3A_88, %sign3A_146 : i32
        %sign3A_148 = arith.extui %sign3A_147 : i1 to i32
        %sign3A_149 = arith.constant 0 : i32
        %sign3A_150 = arith.cmpi slt, %mul3A_88, %sign3A_149 : i32
        %sign3A_151 = arith.extui %sign3A_150 : i1 to i32
        %sign3A_152 = arith.subi %sign3A_148, %sign3A_151 : i32
        %sign3A_153 = arith.constant 0 : i32
        %sign3A_154 = arith.cmpi sgt, %jit3A_144, %sign3A_153 : i32
        %sign3A_155 = arith.extui %sign3A_154 : i1 to i32
        %sign3A_156 = arith.constant 0 : i32
        %sign3A_157 = arith.cmpi slt, %jit3A_144, %sign3A_156 : i32
        %sign3A_158 = arith.extui %sign3A_157 : i1 to i32
        %sign3A_159 = arith.subi %sign3A_155, %sign3A_158 : i32
        %ne3A_160 = arith.cmpi ne, %sign3A_152, %sign3A_159 : i32
        %rem3A_161 = arith.remsi %mul3A_88, %jit3A_144 : i32
        %ne3A_162 = arith.constant 0 : i32
        %ne3A_163 = arith.cmpi ne, %rem3A_161, %ne3A_162 : i32
        %and3A_164 = arith.andi %ne3A_160, %ne3A_163 : i1
        %sub3A_165 = arith.constant 1 : i32
        %sub3A_166 = arith.subi %div3A_145, %sub3A_165 : i32
        %select_n3A_167 = arith.select %and3A_164, %sub3A_166, %div3A_145 : i32
        %mul3A_168 = arith.constant 128 : i32
        %mul3A_169 = arith.muli %add3A_143, %mul3A_168 : i32
        %add3A_170 = arith.addi %select_n3A_167, %mul3A_169 : i32
        %mul3A_171 = arith.constant 256 : i32
        %mul3A_172 = arith.muli %add3A_143, %mul3A_171 : i32
        "tpu.region"() ({
          %run_scoped3A = tpu.sem_alloc : memref<!tpu.dma_semaphore, #tpu.memory_space<semaphore_mem>>
          %dma_start3A = arith.constant 0 : i32
          %dma_start3A_177 = tpu.memref_slice %arg4[%scan3A_14, %add3A_170, %dma_start3A] : memref<8x32768x128xf32, #tpu.memory_space<hbm>> -> memref<1x128x64xf32, #tpu.memory_space<hbm>>
          %dma_start3A_178 = tpu.memref_squeeze %dma_start3A_177 : memref<1x128x64xf32, #tpu.memory_space<hbm>> -> memref<128x64xf32, #tpu.memory_space<hbm>>
          %dma_start3A_179 = arith.constant 0 : i32
          %dma_start3A_180 = tpu.memref_slice %arg11[%mul3A_172, %dma_start3A_179] : memref<16448x64xf32, #tpu.memory_space<vmem_shared>> -> memref<128x64xf32, #tpu.memory_space<vmem_shared>>
          tpu.enqueue_dma source(%dma_start3A_180 : memref<128x64xf32, #tpu.memory_space<vmem_shared>>) target(%dma_start3A_178 : memref<128x64xf32, #tpu.memory_space<hbm>>) target_semaphore(%run_scoped3A : memref<!tpu.dma_semaphore, #tpu.memory_space<semaphore_mem>>)
          %dma_wait3A = arith.constant 0 : i32
          %dma_wait3A_181 = tpu.memref_slice %arg4[%scan3A_14, %add3A_170, %dma_wait3A] : memref<8x32768x128xf32, #tpu.memory_space<hbm>> -> memref<1x128x64xf32, #tpu.memory_space<hbm>>
          %dma_wait3A_182 = tpu.memref_squeeze %dma_wait3A_181 : memref<1x128x64xf32, #tpu.memory_space<hbm>> -> memref<128x64xf32, #tpu.memory_space<hbm>>
          %dma_wait3A_183 = arith.constant 0 : i32
          %dma_wait3A_184 = tpu.memref_slice %arg11[%mul3A_172, %dma_wait3A_183] : memref<16448x64xf32, #tpu.memory_space<vmem_shared>> -> memref<128x64xf32, #tpu.memory_space<vmem_shared>>
          tpu.wait_dma2 semaphore(%run_scoped3A : memref<!tpu.dma_semaphore, #tpu.memory_space<semaphore_mem>>) src(%dma_wait3A_184 : memref<128x64xf32, #tpu.memory_space<vmem_shared>>) dst(%dma_wait3A_182 : memref<128x64xf32, #tpu.memory_space<hbm>>)
          tpu.yield
        }) : () -> ()
        %mul3A_173 = arith.constant 256 : i32
        %mul3A_174 = arith.muli %add3A_143, %mul3A_173 : i32
        %add3A_175 = arith.constant 128 : i32
        %add3A_176 = arith.addi %mul3A_174, %add3A_175 : i32
        "tpu.region"() ({
          %run_scoped3A = tpu.sem_alloc : memref<!tpu.dma_semaphore, #tpu.memory_space<semaphore_mem>>
          %dma_start3A = arith.constant 64 : i32
          %dma_start3A_177 = tpu.memref_slice %arg4[%scan3A_14, %add3A_170, %dma_start3A] : memref<8x32768x128xf32, #tpu.memory_space<hbm>> -> memref<1x128x64xf32, #tpu.memory_space<hbm>>
          %dma_start3A_178 = tpu.memref_squeeze %dma_start3A_177 : memref<1x128x64xf32, #tpu.memory_space<hbm>> -> memref<128x64xf32, #tpu.memory_space<hbm>>
          %dma_start3A_179 = arith.constant 0 : i32
          %dma_start3A_180 = tpu.memref_slice %arg11[%add3A_176, %dma_start3A_179] : memref<16448x64xf32, #tpu.memory_space<vmem_shared>> -> memref<128x64xf32, #tpu.memory_space<vmem_shared>>
          tpu.enqueue_dma source(%dma_start3A_180 : memref<128x64xf32, #tpu.memory_space<vmem_shared>>) target(%dma_start3A_178 : memref<128x64xf32, #tpu.memory_space<hbm>>) target_semaphore(%run_scoped3A : memref<!tpu.dma_semaphore, #tpu.memory_space<semaphore_mem>>)
          %dma_wait3A = arith.constant 64 : i32
          %dma_wait3A_181 = tpu.memref_slice %arg4[%scan3A_14, %add3A_170, %dma_wait3A] : memref<8x32768x128xf32, #tpu.memory_space<hbm>> -> memref<1x128x64xf32, #tpu.memory_space<hbm>>
          %dma_wait3A_182 = tpu.memref_squeeze %dma_wait3A_181 : memref<1x128x64xf32, #tpu.memory_space<hbm>> -> memref<128x64xf32, #tpu.memory_space<hbm>>
          %dma_wait3A_183 = arith.constant 0 : i32
          %dma_wait3A_184 = tpu.memref_slice %arg11[%add3A_176, %dma_wait3A_183] : memref<16448x64xf32, #tpu.memory_space<vmem_shared>> -> memref<128x64xf32, #tpu.memory_space<vmem_shared>>
          tpu.wait_dma2 semaphore(%run_scoped3A : memref<!tpu.dma_semaphore, #tpu.memory_space<semaphore_mem>>) src(%dma_wait3A_184 : memref<128x64xf32, #tpu.memory_space<vmem_shared>>) dst(%dma_wait3A_182 : memref<128x64xf32, #tpu.memory_space<hbm>>)
          tpu.yield
        }) : () -> ()
      }
      %scan3A_138 = arith.constant 4 : i32
      %barrier3A_139 = arith.constant 0 : index
      tpu.barrier barrier_id(%barrier3A_139)
    }
    %scan3A_13 = arith.constant 8 : i32
    return
  }
}

module attributes {stable_mosaic.version = 14 : i64} {
  func.func @_mm_body(%arg0: i32, %arg1: i32, %arg2: memref<2x64x128xf32, #tpu.memory_space<vmem>>, %arg3: memref<1x1024x128xf32, #tpu.memory_space<vmem>>, %arg4: memref<1x64x8x256xf32, #tpu.memory_space<vmem>>) attributes {dimension_semantics = [#tpu.dimension_semantics<arbitrary>, #tpu.dimension_semantics<arbitrary>], iteration_bounds = array<i64: 8, 32>, scalar_prefetch = 0 : i64, scratch_operands = 0 : i64, tpu.core_type = #tpu.core_type<tc>, window_params = [{pipeline_mode = #tpu.pipeline_mode<synchronous>, transform_indices = @transform_0, window_bounds = array<i64: 2, 64, 128>}, {transform_indices = @transform_1, window_bounds = array<i64: 1, 1024, 128>}, {transform_indices = @transform_2, window_bounds = array<i64: 1, 64, 8, 256>}]} {
    %get3A = arith.constant 0 : index
    %get3A_0 = arith.constant 0 : index
    %get3A_1 = arith.constant 0 : index
    %get3A_2 = vector.load %arg3[%get3A, %get3A_0, %get3A_1] : memref<1x1024x128xf32, #tpu.memory_space<vmem>>, vector<1x128x128xf32>
    %get3A_3 = vector.shape_cast %get3A_2 : vector<1x128x128xf32> to vector<128x128xf32>
    %get3A_4 = arith.constant 0 : index
    %get3A_5 = arith.constant 0 : index
    %get3A_6 = arith.constant 0 : index
    %get3A_7 = vector.load %arg2[%get3A_4, %get3A_5, %get3A_6] : memref<2x64x128xf32, #tpu.memory_space<vmem>>, vector<1x64x128xf32>
    %get3A_8 = vector.shape_cast %get3A_7 : vector<1x64x128xf32> to vector<64x128xf32>
    %dot_general3A = arith.constant dense<0.000000e+00> : vector<64x128xf32>
    %dot_general3A_9 = tpu.matmul %get3A_8, %get3A_3, %dot_general3A {dimension_numbers = #tpu.dot_dimension_numbers<[1], [1], [0], [0], [0, 0, 1, 0], [], []>, transpose_lhs_hint = false} : vector<64x128xf32>, vector<128x128xf32>, vector<64x128xf32> -> vector<64x128xf32>
    %get3A_10 = arith.constant 1 : index
    %get3A_11 = arith.constant 0 : index
    %get3A_12 = arith.constant 0 : index
    %get3A_13 = vector.load %arg2[%get3A_10, %get3A_11, %get3A_12] : memref<2x64x128xf32, #tpu.memory_space<vmem>>, vector<1x64x128xf32>
    %get3A_14 = vector.shape_cast %get3A_13 : vector<1x64x128xf32> to vector<64x128xf32>
    %dot_general3A_15 = arith.constant dense<0.000000e+00> : vector<64x128xf32>
    %dot_general3A_16 = tpu.matmul %get3A_14, %get3A_3, %dot_general3A_15 {dimension_numbers = #tpu.dot_dimension_numbers<[1], [1], [0], [0], [0, 0, 1, 0], [], []>, transpose_lhs_hint = false} : vector<64x128xf32>, vector<128x128xf32>, vector<64x128xf32> -> vector<64x128xf32>
    %concatenate3A = tpu.concatenate %dot_general3A_9, %dot_general3A_16 in 1 : vector<64x128xf32>, vector<64x128xf32> -> vector<64x256xf32>
    %swap3A = arith.constant 0 : index
    %swap3A_17 = arith.constant 0 : index
    %swap3A_18 = arith.constant 0 : index
    %swap3A_19 = arith.constant 0 : index
    %swap3A_20 = vector.load %arg4[%swap3A, %swap3A_17, %swap3A_18, %swap3A_19] : memref<1x64x8x256xf32, #tpu.memory_space<vmem>>, vector<1x64x1x256xf32>
    %swap3A_21 = vector.shape_cast %swap3A_20 : vector<1x64x1x256xf32> to vector<64x256xf32>
    %swap3A_22 = vector.shape_cast %concatenate3A : vector<64x256xf32> to vector<1x64x1x256xf32>
    tpu.vector_store %arg4[%swap3A, %swap3A_17, %swap3A_18, %swap3A_19], %swap3A_22 {strides = array<i32>} : memref<1x64x8x256xf32, #tpu.memory_space<vmem>>, vector<1x64x1x256xf32>,
    %get3A_23 = arith.constant 0 : index
    %get3A_24 = arith.constant 128 : index
    %get3A_25 = arith.constant 0 : index
    %get3A_26 = vector.load %arg3[%get3A_23, %get3A_24, %get3A_25] : memref<1x1024x128xf32, #tpu.memory_space<vmem>>, vector<1x128x128xf32>
    %get3A_27 = vector.shape_cast %get3A_26 : vector<1x128x128xf32> to vector<128x128xf32>
    %get3A_28 = arith.constant 0 : index
    %get3A_29 = arith.constant 0 : index
    %get3A_30 = arith.constant 0 : index
    %get3A_31 = vector.load %arg2[%get3A_28, %get3A_29, %get3A_30] : memref<2x64x128xf32, #tpu.memory_space<vmem>>, vector<1x64x128xf32>
    %get3A_32 = vector.shape_cast %get3A_31 : vector<1x64x128xf32> to vector<64x128xf32>
    %dot_general3A_33 = arith.constant dense<0.000000e+00> : vector<64x128xf32>
    %dot_general3A_34 = tpu.matmul %get3A_32, %get3A_27, %dot_general3A_33 {dimension_numbers = #tpu.dot_dimension_numbers<[1], [1], [0], [0], [0, 0, 1, 0], [], []>, transpose_lhs_hint = false} : vector<64x128xf32>, vector<128x128xf32>, vector<64x128xf32> -> vector<64x128xf32>
    %get3A_35 = arith.constant 1 : index
    %get3A_36 = arith.constant 0 : index
    %get3A_37 = arith.constant 0 : index
    %get3A_38 = vector.load %arg2[%get3A_35, %get3A_36, %get3A_37] : memref<2x64x128xf32, #tpu.memory_space<vmem>>, vector<1x64x128xf32>
    %get3A_39 = vector.shape_cast %get3A_38 : vector<1x64x128xf32> to vector<64x128xf32>
    %dot_general3A_40 = arith.constant dense<0.000000e+00> : vector<64x128xf32>
    %dot_general3A_41 = tpu.matmul %get3A_39, %get3A_27, %dot_general3A_40 {dimension_numbers = #tpu.dot_dimension_numbers<[1], [1], [0], [0], [0, 0, 1, 0], [], []>, transpose_lhs_hint = false} : vector<64x128xf32>, vector<128x128xf32>, vector<64x128xf32> -> vector<64x128xf32>
    %concatenate3A_42 = tpu.concatenate %dot_general3A_34, %dot_general3A_41 in 1 : vector<64x128xf32>, vector<64x128xf32> -> vector<64x256xf32>
    %swap3A_43 = arith.constant 0 : index
    %swap3A_44 = arith.constant 0 : index
    %swap3A_45 = arith.constant 1 : index
    %swap3A_46 = arith.constant 0 : index
    %swap3A_47 = vector.load %arg4[%swap3A_43, %swap3A_44, %swap3A_45, %swap3A_46] : memref<1x64x8x256xf32, #tpu.memory_space<vmem>>, vector<1x64x1x256xf32>
    %swap3A_48 = vector.shape_cast %swap3A_47 : vector<1x64x1x256xf32> to vector<64x256xf32>
    %swap3A_49 = vector.shape_cast %concatenate3A_42 : vector<64x256xf32> to vector<1x64x1x256xf32>
    tpu.vector_store %arg4[%swap3A_43, %swap3A_44, %swap3A_45, %swap3A_46], %swap3A_49 {strides = array<i32>} : memref<1x64x8x256xf32, #tpu.memory_space<vmem>>, vector<1x64x1x256xf32>,
    %get3A_50 = arith.constant 0 : index
    %get3A_51 = arith.constant 256 : index
    %get3A_52 = arith.constant 0 : index
    %get3A_53 = vector.load %arg3[%get3A_50, %get3A_51, %get3A_52] : memref<1x1024x128xf32, #tpu.memory_space<vmem>>, vector<1x128x128xf32>
    %get3A_54 = vector.shape_cast %get3A_53 : vector<1x128x128xf32> to vector<128x128xf32>
    %get3A_55 = arith.constant 0 : index
    %get3A_56 = arith.constant 0 : index
    %get3A_57 = arith.constant 0 : index
    %get3A_58 = vector.load %arg2[%get3A_55, %get3A_56, %get3A_57] : memref<2x64x128xf32, #tpu.memory_space<vmem>>, vector<1x64x128xf32>
    %get3A_59 = vector.shape_cast %get3A_58 : vector<1x64x128xf32> to vector<64x128xf32>
    %dot_general3A_60 = arith.constant dense<0.000000e+00> : vector<64x128xf32>
    %dot_general3A_61 = tpu.matmul %get3A_59, %get3A_54, %dot_general3A_60 {dimension_numbers = #tpu.dot_dimension_numbers<[1], [1], [0], [0], [0, 0, 1, 0], [], []>, transpose_lhs_hint = false} : vector<64x128xf32>, vector<128x128xf32>, vector<64x128xf32> -> vector<64x128xf32>
    %get3A_62 = arith.constant 1 : index
    %get3A_63 = arith.constant 0 : index
    %get3A_64 = arith.constant 0 : index
    %get3A_65 = vector.load %arg2[%get3A_62, %get3A_63, %get3A_64] : memref<2x64x128xf32, #tpu.memory_space<vmem>>, vector<1x64x128xf32>
    %get3A_66 = vector.shape_cast %get3A_65 : vector<1x64x128xf32> to vector<64x128xf32>
    %dot_general3A_67 = arith.constant dense<0.000000e+00> : vector<64x128xf32>
    %dot_general3A_68 = tpu.matmul %get3A_66, %get3A_54, %dot_general3A_67 {dimension_numbers = #tpu.dot_dimension_numbers<[1], [1], [0], [0], [0, 0, 1, 0], [], []>, transpose_lhs_hint = false} : vector<64x128xf32>, vector<128x128xf32>, vector<64x128xf32> -> vector<64x128xf32>
    %concatenate3A_69 = tpu.concatenate %dot_general3A_61, %dot_general3A_68 in 1 : vector<64x128xf32>, vector<64x128xf32> -> vector<64x256xf32>
    %swap3A_70 = arith.constant 0 : index
    %swap3A_71 = arith.constant 0 : index
    %swap3A_72 = arith.constant 2 : index
    %swap3A_73 = arith.constant 0 : index
    %swap3A_74 = vector.load %arg4[%swap3A_70, %swap3A_71, %swap3A_72, %swap3A_73] : memref<1x64x8x256xf32, #tpu.memory_space<vmem>>, vector<1x64x1x256xf32>
    %swap3A_75 = vector.shape_cast %swap3A_74 : vector<1x64x1x256xf32> to vector<64x256xf32>
    %swap3A_76 = vector.shape_cast %concatenate3A_69 : vector<64x256xf32> to vector<1x64x1x256xf32>
    tpu.vector_store %arg4[%swap3A_70, %swap3A_71, %swap3A_72, %swap3A_73], %swap3A_76 {strides = array<i32>} : memref<1x64x8x256xf32, #tpu.memory_space<vmem>>, vector<1x64x1x256xf32>,
    %get3A_77 = arith.constant 0 : index
    %get3A_78 = arith.constant 384 : index
    %get3A_79 = arith.constant 0 : index
    %get3A_80 = vector.load %arg3[%get3A_77, %get3A_78, %get3A_79] : memref<1x1024x128xf32, #tpu.memory_space<vmem>>, vector<1x128x128xf32>
    %get3A_81 = vector.shape_cast %get3A_80 : vector<1x128x128xf32> to vector<128x128xf32>
    %get3A_82 = arith.constant 0 : index
    %get3A_83 = arith.constant 0 : index
    %get3A_84 = arith.constant 0 : index
    %get3A_85 = vector.load %arg2[%get3A_82, %get3A_83, %get3A_84] : memref<2x64x128xf32, #tpu.memory_space<vmem>>, vector<1x64x128xf32>
    %get3A_86 = vector.shape_cast %get3A_85 : vector<1x64x128xf32> to vector<64x128xf32>
    %dot_general3A_87 = arith.constant dense<0.000000e+00> : vector<64x128xf32>
    %dot_general3A_88 = tpu.matmul %get3A_86, %get3A_81, %dot_general3A_87 {dimension_numbers = #tpu.dot_dimension_numbers<[1], [1], [0], [0], [0, 0, 1, 0], [], []>, transpose_lhs_hint = false} : vector<64x128xf32>, vector<128x128xf32>, vector<64x128xf32> -> vector<64x128xf32>
    %get3A_89 = arith.constant 1 : index
    %get3A_90 = arith.constant 0 : index
    %get3A_91 = arith.constant 0 : index
    %get3A_92 = vector.load %arg2[%get3A_89, %get3A_90, %get3A_91] : memref<2x64x128xf32, #tpu.memory_space<vmem>>, vector<1x64x128xf32>
    %get3A_93 = vector.shape_cast %get3A_92 : vector<1x64x128xf32> to vector<64x128xf32>
    %dot_general3A_94 = arith.constant dense<0.000000e+00> : vector<64x128xf32>
    %dot_general3A_95 = tpu.matmul %get3A_93, %get3A_81, %dot_general3A_94 {dimension_numbers = #tpu.dot_dimension_numbers<[1], [1], [0], [0], [0, 0, 1, 0], [], []>, transpose_lhs_hint = false} : vector<64x128xf32>, vector<128x128xf32>, vector<64x128xf32> -> vector<64x128xf32>
    %concatenate3A_96 = tpu.concatenate %dot_general3A_88, %dot_general3A_95 in 1 : vector<64x128xf32>, vector<64x128xf32> -> vector<64x256xf32>
    %swap3A_97 = arith.constant 0 : index
    %swap3A_98 = arith.constant 0 : index
    %swap3A_99 = arith.constant 3 : index
    %swap3A_100 = arith.constant 0 : index
    %swap3A_101 = vector.load %arg4[%swap3A_97, %swap3A_98, %swap3A_99, %swap3A_100] : memref<1x64x8x256xf32, #tpu.memory_space<vmem>>, vector<1x64x1x256xf32>
    %swap3A_102 = vector.shape_cast %swap3A_101 : vector<1x64x1x256xf32> to vector<64x256xf32>
    %swap3A_103 = vector.shape_cast %concatenate3A_96 : vector<64x256xf32> to vector<1x64x1x256xf32>
    tpu.vector_store %arg4[%swap3A_97, %swap3A_98, %swap3A_99, %swap3A_100], %swap3A_103 {strides = array<i32>} : memref<1x64x8x256xf32, #tpu.memory_space<vmem>>, vector<1x64x1x256xf32>,
    %get3A_104 = arith.constant 0 : index
    %get3A_105 = arith.constant 512 : index
    %get3A_106 = arith.constant 0 : index
    %get3A_107 = vector.load %arg3[%get3A_104, %get3A_105, %get3A_106] : memref<1x1024x128xf32, #tpu.memory_space<vmem>>, vector<1x128x128xf32>
    %get3A_108 = vector.shape_cast %get3A_107 : vector<1x128x128xf32> to vector<128x128xf32>
    %get3A_109 = arith.constant 0 : index
    %get3A_110 = arith.constant 0 : index
    %get3A_111 = arith.constant 0 : index
    %get3A_112 = vector.load %arg2[%get3A_109, %get3A_110, %get3A_111] : memref<2x64x128xf32, #tpu.memory_space<vmem>>, vector<1x64x128xf32>
    %get3A_113 = vector.shape_cast %get3A_112 : vector<1x64x128xf32> to vector<64x128xf32>
    %dot_general3A_114 = arith.constant dense<0.000000e+00> : vector<64x128xf32>
    %dot_general3A_115 = tpu.matmul %get3A_113, %get3A_108, %dot_general3A_114 {dimension_numbers = #tpu.dot_dimension_numbers<[1], [1], [0], [0], [0, 0, 1, 0], [], []>, transpose_lhs_hint = false} : vector<64x128xf32>, vector<128x128xf32>, vector<64x128xf32> -> vector<64x128xf32>
    %get3A_116 = arith.constant 1 : index
    %get3A_117 = arith.constant 0 : index
    %get3A_118 = arith.constant 0 : index
    %get3A_119 = vector.load %arg2[%get3A_116, %get3A_117, %get3A_118] : memref<2x64x128xf32, #tpu.memory_space<vmem>>, vector<1x64x128xf32>
    %get3A_120 = vector.shape_cast %get3A_119 : vector<1x64x128xf32> to vector<64x128xf32>
    %dot_general3A_121 = arith.constant dense<0.000000e+00> : vector<64x128xf32>
    %dot_general3A_122 = tpu.matmul %get3A_120, %get3A_108, %dot_general3A_121 {dimension_numbers = #tpu.dot_dimension_numbers<[1], [1], [0], [0], [0, 0, 1, 0], [], []>, transpose_lhs_hint = false} : vector<64x128xf32>, vector<128x128xf32>, vector<64x128xf32> -> vector<64x128xf32>
    %concatenate3A_123 = tpu.concatenate %dot_general3A_115, %dot_general3A_122 in 1 : vector<64x128xf32>, vector<64x128xf32> -> vector<64x256xf32>
    %swap3A_124 = arith.constant 0 : index
    %swap3A_125 = arith.constant 0 : index
    %swap3A_126 = arith.constant 4 : index
    %swap3A_127 = arith.constant 0 : index
    %swap3A_128 = vector.load %arg4[%swap3A_124, %swap3A_125, %swap3A_126, %swap3A_127] : memref<1x64x8x256xf32, #tpu.memory_space<vmem>>, vector<1x64x1x256xf32>
    %swap3A_129 = vector.shape_cast %swap3A_128 : vector<1x64x1x256xf32> to vector<64x256xf32>
    %swap3A_130 = vector.shape_cast %concatenate3A_123 : vector<64x256xf32> to vector<1x64x1x256xf32>
    tpu.vector_store %arg4[%swap3A_124, %swap3A_125, %swap3A_126, %swap3A_127], %swap3A_130 {strides = array<i32>} : memref<1x64x8x256xf32, #tpu.memory_space<vmem>>, vector<1x64x1x256xf32>,
    %get3A_131 = arith.constant 0 : index
    %get3A_132 = arith.constant 640 : index
    %get3A_133 = arith.constant 0 : index
    %get3A_134 = vector.load %arg3[%get3A_131, %get3A_132, %get3A_133] : memref<1x1024x128xf32, #tpu.memory_space<vmem>>, vector<1x128x128xf32>
    %get3A_135 = vector.shape_cast %get3A_134 : vector<1x128x128xf32> to vector<128x128xf32>
    %get3A_136 = arith.constant 0 : index
    %get3A_137 = arith.constant 0 : index
    %get3A_138 = arith.constant 0 : index
    %get3A_139 = vector.load %arg2[%get3A_136, %get3A_137, %get3A_138] : memref<2x64x128xf32, #tpu.memory_space<vmem>>, vector<1x64x128xf32>
    %get3A_140 = vector.shape_cast %get3A_139 : vector<1x64x128xf32> to vector<64x128xf32>
    %dot_general3A_141 = arith.constant dense<0.000000e+00> : vector<64x128xf32>
    %dot_general3A_142 = tpu.matmul %get3A_140, %get3A_135, %dot_general3A_141 {dimension_numbers = #tpu.dot_dimension_numbers<[1], [1], [0], [0], [0, 0, 1, 0], [], []>, transpose_lhs_hint = false} : vector<64x128xf32>, vector<128x128xf32>, vector<64x128xf32> -> vector<64x128xf32>
    %get3A_143 = arith.constant 1 : index
    %get3A_144 = arith.constant 0 : index
    %get3A_145 = arith.constant 0 : index
    %get3A_146 = vector.load %arg2[%get3A_143, %get3A_144, %get3A_145] : memref<2x64x128xf32, #tpu.memory_space<vmem>>, vector<1x64x128xf32>
    %get3A_147 = vector.shape_cast %get3A_146 : vector<1x64x128xf32> to vector<64x128xf32>
    %dot_general3A_148 = arith.constant dense<0.000000e+00> : vector<64x128xf32>
    %dot_general3A_149 = tpu.matmul %get3A_147, %get3A_135, %dot_general3A_148 {dimension_numbers = #tpu.dot_dimension_numbers<[1], [1], [0], [0], [0, 0, 1, 0], [], []>, transpose_lhs_hint = false} : vector<64x128xf32>, vector<128x128xf32>, vector<64x128xf32> -> vector<64x128xf32>
    %concatenate3A_150 = tpu.concatenate %dot_general3A_142, %dot_general3A_149 in 1 : vector<64x128xf32>, vector<64x128xf32> -> vector<64x256xf32>
    %swap3A_151 = arith.constant 0 : index
    %swap3A_152 = arith.constant 0 : index
    %swap3A_153 = arith.constant 5 : index
    %swap3A_154 = arith.constant 0 : index
    %swap3A_155 = vector.load %arg4[%swap3A_151, %swap3A_152, %swap3A_153, %swap3A_154] : memref<1x64x8x256xf32, #tpu.memory_space<vmem>>, vector<1x64x1x256xf32>
    %swap3A_156 = vector.shape_cast %swap3A_155 : vector<1x64x1x256xf32> to vector<64x256xf32>
    %swap3A_157 = vector.shape_cast %concatenate3A_150 : vector<64x256xf32> to vector<1x64x1x256xf32>
    tpu.vector_store %arg4[%swap3A_151, %swap3A_152, %swap3A_153, %swap3A_154], %swap3A_157 {strides = array<i32>} : memref<1x64x8x256xf32, #tpu.memory_space<vmem>>, vector<1x64x1x256xf32>,
    %get3A_158 = arith.constant 0 : index
    %get3A_159 = arith.constant 768 : index
    %get3A_160 = arith.constant 0 : index
    %get3A_161 = vector.load %arg3[%get3A_158, %get3A_159, %get3A_160] : memref<1x1024x128xf32, #tpu.memory_space<vmem>>, vector<1x128x128xf32>
    %get3A_162 = vector.shape_cast %get3A_161 : vector<1x128x128xf32> to vector<128x128xf32>
    %get3A_163 = arith.constant 0 : index
    %get3A_164 = arith.constant 0 : index
    %get3A_165 = arith.constant 0 : index
    %get3A_166 = vector.load %arg2[%get3A_163, %get3A_164, %get3A_165] : memref<2x64x128xf32, #tpu.memory_space<vmem>>, vector<1x64x128xf32>
    %get3A_167 = vector.shape_cast %get3A_166 : vector<1x64x128xf32> to vector<64x128xf32>
    %dot_general3A_168 = arith.constant dense<0.000000e+00> : vector<64x128xf32>
    %dot_general3A_169 = tpu.matmul %get3A_167, %get3A_162, %dot_general3A_168 {dimension_numbers = #tpu.dot_dimension_numbers<[1], [1], [0], [0], [0, 0, 1, 0], [], []>, transpose_lhs_hint = false} : vector<64x128xf32>, vector<128x128xf32>, vector<64x128xf32> -> vector<64x128xf32>
    %get3A_170 = arith.constant 1 : index
    %get3A_171 = arith.constant 0 : index
    %get3A_172 = arith.constant 0 : index
    %get3A_173 = vector.load %arg2[%get3A_170, %get3A_171, %get3A_172] : memref<2x64x128xf32, #tpu.memory_space<vmem>>, vector<1x64x128xf32>
    %get3A_174 = vector.shape_cast %get3A_173 : vector<1x64x128xf32> to vector<64x128xf32>
    %dot_general3A_175 = arith.constant dense<0.000000e+00> : vector<64x128xf32>
    %dot_general3A_176 = tpu.matmul %get3A_174, %get3A_162, %dot_general3A_175 {dimension_numbers = #tpu.dot_dimension_numbers<[1], [1], [0], [0], [0, 0, 1, 0], [], []>, transpose_lhs_hint = false} : vector<64x128xf32>, vector<128x128xf32>, vector<64x128xf32> -> vector<64x128xf32>
    %concatenate3A_177 = tpu.concatenate %dot_general3A_169, %dot_general3A_176 in 1 : vector<64x128xf32>, vector<64x128xf32> -> vector<64x256xf32>
    %swap3A_178 = arith.constant 0 : index
    %swap3A_179 = arith.constant 0 : index
    %swap3A_180 = arith.constant 6 : index
    %swap3A_181 = arith.constant 0 : index
    %swap3A_182 = vector.load %arg4[%swap3A_178, %swap3A_179, %swap3A_180, %swap3A_181] : memref<1x64x8x256xf32, #tpu.memory_space<vmem>>, vector<1x64x1x256xf32>
    %swap3A_183 = vector.shape_cast %swap3A_182 : vector<1x64x1x256xf32> to vector<64x256xf32>
    %swap3A_184 = vector.shape_cast %concatenate3A_177 : vector<64x256xf32> to vector<1x64x1x256xf32>
    tpu.vector_store %arg4[%swap3A_178, %swap3A_179, %swap3A_180, %swap3A_181], %swap3A_184 {strides = array<i32>} : memref<1x64x8x256xf32, #tpu.memory_space<vmem>>, vector<1x64x1x256xf32>,
    %get3A_185 = arith.constant 0 : index
    %get3A_186 = arith.constant 896 : index
    %get3A_187 = arith.constant 0 : index
    %get3A_188 = vector.load %arg3[%get3A_185, %get3A_186, %get3A_187] : memref<1x1024x128xf32, #tpu.memory_space<vmem>>, vector<1x128x128xf32>
    %get3A_189 = vector.shape_cast %get3A_188 : vector<1x128x128xf32> to vector<128x128xf32>
    %get3A_190 = arith.constant 0 : index
    %get3A_191 = arith.constant 0 : index
    %get3A_192 = arith.constant 0 : index
    %get3A_193 = vector.load %arg2[%get3A_190, %get3A_191, %get3A_192] : memref<2x64x128xf32, #tpu.memory_space<vmem>>, vector<1x64x128xf32>
    %get3A_194 = vector.shape_cast %get3A_193 : vector<1x64x128xf32> to vector<64x128xf32>
    %dot_general3A_195 = arith.constant dense<0.000000e+00> : vector<64x128xf32>
    %dot_general3A_196 = tpu.matmul %get3A_194, %get3A_189, %dot_general3A_195 {dimension_numbers = #tpu.dot_dimension_numbers<[1], [1], [0], [0], [0, 0, 1, 0], [], []>, transpose_lhs_hint = false} : vector<64x128xf32>, vector<128x128xf32>, vector<64x128xf32> -> vector<64x128xf32>
    %get3A_197 = arith.constant 1 : index
    %get3A_198 = arith.constant 0 : index
    %get3A_199 = arith.constant 0 : index
    %get3A_200 = vector.load %arg2[%get3A_197, %get3A_198, %get3A_199] : memref<2x64x128xf32, #tpu.memory_space<vmem>>, vector<1x64x128xf32>
    %get3A_201 = vector.shape_cast %get3A_200 : vector<1x64x128xf32> to vector<64x128xf32>
    %dot_general3A_202 = arith.constant dense<0.000000e+00> : vector<64x128xf32>
    %dot_general3A_203 = tpu.matmul %get3A_201, %get3A_189, %dot_general3A_202 {dimension_numbers = #tpu.dot_dimension_numbers<[1], [1], [0], [0], [0, 0, 1, 0], [], []>, transpose_lhs_hint = false} : vector<64x128xf32>, vector<128x128xf32>, vector<64x128xf32> -> vector<64x128xf32>
    %concatenate3A_204 = tpu.concatenate %dot_general3A_196, %dot_general3A_203 in 1 : vector<64x128xf32>, vector<64x128xf32> -> vector<64x256xf32>
    %swap3A_205 = arith.constant 0 : index
    %swap3A_206 = arith.constant 0 : index
    %swap3A_207 = arith.constant 7 : index
    %swap3A_208 = arith.constant 0 : index
    %swap3A_209 = vector.load %arg4[%swap3A_205, %swap3A_206, %swap3A_207, %swap3A_208] : memref<1x64x8x256xf32, #tpu.memory_space<vmem>>, vector<1x64x1x256xf32>
    %swap3A_210 = vector.shape_cast %swap3A_209 : vector<1x64x1x256xf32> to vector<64x256xf32>
    %swap3A_211 = vector.shape_cast %concatenate3A_204 : vector<64x256xf32> to vector<1x64x1x256xf32>
    tpu.vector_store %arg4[%swap3A_205, %swap3A_206, %swap3A_207, %swap3A_208], %swap3A_211 {strides = array<i32>} : memref<1x64x8x256xf32, #tpu.memory_space<vmem>>, vector<1x64x1x256xf32>,
    return
  }
  func.func @transform_0(%arg0: i32, %arg1: i32) -> (i32, i32, i32) {
    %c0_i32 = arith.constant 0 : i32
    %c0_i32_0 = arith.constant 0 : i32
    %c0_i32_1 = arith.constant 0 : i32
    %c0_i32_2 = arith.constant 0 : i32
    return %c0_i32, %c0_i32_0, %c0_i32_1 : i32, i32, i32
  }
  func.func @transform_1(%arg0: i32, %arg1: i32) -> (i32, i32, i32) {
    %c0_i32 = arith.constant 0 : i32
    %c0_i32_0 = arith.constant 0 : i32
    return %arg0, %arg1, %c0_i32 : i32, i32, i32
  }
  func.func @transform_2(%arg0: i32, %arg1: i32) -> (i32, i32, i32, i32) {
    %c0_i32 = arith.constant 0 : i32
    %c0_i32_0 = arith.constant 0 : i32
    %c0_i32_1 = arith.constant 0 : i32
    return %arg0, %c0_i32, %arg1, %c0_i32_0 : i32, i32, i32, i32
  }
}

</mosaic_0001>

<sc_bundles>
// kernel: kernel.4.cloned.1.call-start
scs
__scs_entry_jumppad:
0x0: {  	(pc) =	sbr.rel $0x88, $3  }
0x1: {  	(tag) =	ssettag $0x0;
	lr =	simm.s32 $0x1  }
0x2: {  	[smem:$0x3F9E] =	sst lr;
	_ =	strace $0xD0000000  }
0x3: {  	_ = 	snop  }
0x4: {  	_ = 	snop  }
0x5: {  	_ = 	snop  }
0x6: {  	_ = 	snop  }
0x7: {  	_ = 	snop  }
__scs_overlays_trampoline_lowered:
0x8: {  	[smem:$0x3FAD] =	sst s0  }
0x9: {  	[smem:$0x3FAE] =	sst s1  }
0xa: {  	[smem:$0x3FAF] =	sst s2  }
0xb: {  	[smem:$0x3FB0] =	sst s3  }
0xc: {  	[smem:$0x3FB1] =	sst s4  }
0xd: {  	[smem:$0x3FB2] =	sst s5  }
0xe: {  	[smem:$0x3FB3] =	sst s6  }
0xf: {  	[smem:$0x3FB4] =	sst s7  }
0x10: {  	[smem:$0x3FB5] =	sst s8  }
0x11: {  	[smem:$0x3FB6] =	sst s9;
	s0 =	simm.s32 @!p0 $0x0  }
0x12: {  	s1 =	sld [smem:$0x3F9C];
	s0 =	simm.s32 @p0 $0x1  }
0x13: {  	[smem:$0x3FB7] =	sst s0;
	s0 =	simm.s32 @!p1 $0x0  }
0x14: {  	s2 =	sld [smem:$0x3F9B];
	s0 =	simm.s32 @p1 $0x1  }
0x15: {  	[smem:$0x3FB8] =	sst s0;
	s0 =	simm.s32 @!p2 $0x0  }
0x16: {  	s3 =	sld [smem:$0x3FDB];
	s0 =	simm.s32 @p2 $0x1  }
0x17: {  	s4 =	simm.s32 $0x1BF5;
	[smem:$0x3FBA] =	sst s0  }
0x18: {  	s0 =	sld [smem:$0x3F9D];
	_ =	swait.ge [sflag:s4], $0x0  }
0x19: {  	s7 =	sld [smem:$0x3F9E]  }
0x1a: {  	s8 =	sadd.s32 $0xFFFFE003, lr  }
0x1b: {  	s9 =	sadd.s32 $0xFFFFFEF7, lr;
	s5 =	simm.s32 $0xFFFFFFFF;
	p2 =	slt.u32 s8, $0xFFFFF086  }
0x1c: {  	p1 =	slt.u32 s9, $0xF7A;
	s5 =	simm.s32 @!p2 $0x0  }
0x1d: {  	s5 =	simm.s32 @p1 $0x1;
	p0 =	seq.s32 s7, s2  }
0x1e: {  	s7 =	smul.u32 @!p0 $0xF7A, s2;
	p2 =	seq.s32 @!p0 s5, $0x0  }
0x1f: {  	s9 =	smul.u32 $0xF7A, s1;
	s8 =	simm.s32 @!p0 $0x1BF5;
	p2 =	por !p2, p0  }
0x20: {  	[sflag:s8] =	ssyncset.s32 @!p0 $0xFFFFF086;
	s6 =	sadd.s32 @!p0 s3, s7;
	s7 =	simm.s32 @!p0 $0x108  }
0x21: {  	s3 =	sadd.s32 s3, s9;
	s6 =	sadd.s32 @!p0 $0x88, s6;
	s7 =	simm.s32 @p2 $0x1082  }
0x22: {  	[simem:s7], [sflag:s8] =	dma.local @!p0 [hbm:s6], $0xF7A  }
0x23: {  	s9 =	sor.u32 $0xD0000000, s2;
	s6 =	simm.s32 $0x108;
	_ =	swait.ge @!p0 [sflag:s8], $0x0  }
0x24: {  	s3 =	sadd.s32 $0x88, s3;
	s6 =	simm.s32 @!p1 $0x1082;
	[sflag:s4] =	ssyncset.s32 $0xFFFFF086  }
0x25: {  	[simem:s6], [sflag:s4] =	dma.local [hbm:s3], $0xF7A  }
0x26: {  	[smem:$0x3F9E] =	sst s1;
	(tag) =	ssettag s2;
	_ =	strace s9  }
0x27: {  	s1 =	sld [smem:$0x3FAE]  }
0x28: {  	s2 =	sld [smem:$0x3FAF]  }
0x29: {  	s4 =	sld [smem:$0x3FB1]  }
0x2a: {  	p0 =	seq.s32 s5, $0x0;
	s5 =	sld [smem:$0x3FB2]  }
0x2b: {  	s6 =	sld [smem:$0x3FB3]  }
0x2c: {  	s7 =	sld [smem:$0x3FB4]  }
0x2d: {  	s3 =	simm.s32 $0x108;
	s8 =	sld [smem:$0x3FB5]  }
0x2e: {  	s3 =	simm.s32 @!p0 $0x1082;
	s9 =	sld [smem:$0x3FB6]  }
0x2f: {  	lr =	sadd.s32 s0, s3;
	s0 =	sld [smem:$0x3FAD]  }
0x30: {  	s3 =	sld [smem:$0x3FB0]  }
0x31: {  	[smem:$0x3FB9] =	sst s10  }
0x32: {  	s10 =	sld [smem:$0x3FB7];
	_ =	sdelay $0x3  }
0x33: {  	p0 =	seq.s32 s10, $0x1;
	s10 =	sld [smem:$0x3FB9];
	_ =	sdelay $0x3  }
0x34: {  	[smem:$0x3FB9] =	sst s10  }
0x35: {  	s10 =	sld [smem:$0x3FB8];
	_ =	sdelay $0x3  }
0x36: {  	p1 =	seq.s32 s10, $0x1;
	s10 =	sld [smem:$0x3FB9];
	_ =	sdelay $0x3  }
0x37: {  	[smem:$0x3FB9] =	sst s10  }
0x38: {  	s10 =	sld [smem:$0x3FBA]  }
0x39: {  	_ = 	snop;
	(pc) =	sbr.ind lr, $3  }
0x3a: {  	_ = 	snop  }
0x3b: {  	_ = 	snop  }
0x3c: {  	p2 =	seq.s32 s10, $0x1;
	s10 =	sld [smem:$0x3FB9]  }
0x3d: {  	_ =	shalt  }
0x3e: {  	_ =	shalt  }
0x3f: {  	_ =	shalt  }
0x40: {  	_ =	shalt  }
0x41: {  	_ =	shalt  }
0x42: {  	_ =	shalt  }
0x43: {  	_ =	shalt  }
0x44: {  	_ =	shalt  }
0x45: {  	_ =	shalt  }
0x46: {  	_ =	shalt  }
0x47: {  	_ =	shalt  }
0x48: {  	_ =	shalt  }
0x49: {  	_ =	shalt  }
0x4a: {  	_ =	shalt  }
0x4b: {  	_ =	shalt  }
0x4c: {  	_ =	shalt  }
0x4d: {  	_ =	shalt  }
0x4e: {  	_ =	shalt  }
0x4f: {  	_ =	shalt  }
0x50: {  	_ =	shalt  }
0x51: {  	_ =	shalt  }
0x52: {  	_ =	shalt  }
0x53: {  	_ =	shalt  }
0x54: {  	_ =	shalt  }
0x55: {  	_ =	shalt  }
0x56: {  	_ =	shalt  }
0x57: {  	_ =	shalt  }
0x58: {  	_ =	shalt  }
0x59: {  	_ =	shalt  }
0x5a: {  	_ =	shalt  }
0x5b: {  	_ =	shalt  }
0x5c: {  	_ =	shalt  }
0x5d: {  	_ =	shalt  }
0x5e: {  	_ =	shalt  }
0x5f: {  	_ =	shalt  }
0x60: {  	_ =	shalt  }
0x61: {  	_ =	shalt  }
0x62: {  	_ =	shalt  }
0x63: {  	_ =	shalt  }
0x64: {  	_ =	shalt  }
0x65: {  	_ =	shalt  }
0x66: {  	_ =	shalt  }
0x67: {  	_ =	shalt  }
0x68: {  	_ =	shalt  }
0x69: {  	_ =	shalt  }
0x6a: {  	_ =	shalt  }
0x6b: {  	_ =	shalt  }
0x6c: {  	_ =	shalt  }
0x6d: {  	_ =	shalt  }
0x6e: {  	_ =	shalt  }
0x6f: {  	_ =	shalt  }
0x70: {  	_ =	shalt  }
0x71: {  	_ =	shalt  }
0x72: {  	_ =	shalt  }
0x73: {  	_ =	shalt  }
0x74: {  	_ =	shalt  }
0x75: {  	_ =	shalt  }
0x76: {  	_ =	shalt  }
0x77: {  	_ =	shalt  }
0x78: {  	_ =	shalt  }
0x79: {  	_ =	shalt  }
0x7a: {  	_ =	shalt  }
0x7b: {  	_ =	shalt  }
0x7c: {  	_ =	shalt  }
0x7d: {  	_ =	shalt  }
0x7e: {  	_ =	shalt  }
0x7f: {  	_ =	shalt  }
0x80: {  	_ =	shalt  }
0x81: {  	_ =	shalt  }
0x82: {  	_ =	shalt  }
0x83: {  	_ =	shalt  }
0x84: {  	_ =	shalt  }
0x85: {  	_ =	shalt  }
0x86: {  	_ =	shalt  }
0x87: {  	_ =	shalt  }
.Lfunc_end0:
.L_simem_size_0:
called_computation_lowered:
.L_overlay_start_0:
0x88: {  	s2 =	sld [smem:$0x3FD9]  }
0x89: {  	s3 =	sld [smem:$0x3FFE];
	_ =	sdelay $0x1  }
0x8a: {  	s1 =	srdreg.scid  }
0x8b: {  	s0 =	sand.u32 $0x1, s1  }
0x8c: {  	s17 =	sshll.u32 s0, $0xA;
	s2 =	sadd.s32 s3, s2  }
0x8d: {  	s2 =	sadd.s32 s2, s17  }
0x8e: {  	[smem:$0x3FC5] =	sst s2  }
0x8f: {  	_ = 	snop  }
0x90: {  	s2 =	sld [smem:$0x3FD0];
	(tm) =	ssettm $0x1  }
0x91: {  	s18 =	sld [smem:$0x3FFB];
	_ =	sdelay $0x3  }
0x92: {  	_ =	strace s18  }
0x93: {  	s3 =	sld [smem:$0x3FFC];
	_ =	sdelay $0x3  }
0x94: {  	_ =	strace s3  }
0x95: {  	s3 =	sld [smem:$0x3FFD];
	_ =	sdelay $0x3  }
0x96: {  	_ =	strace s3  }
0x97: {  	_ =	strace $0x8FFFFFFF  }
0x98: {  	s19 =	sld [smem:$0x3FDB];
	_ =	sdelay $0x1  }
0x99: {  	s4 =	simm.s32 $_scs_section_size  }
0x9a: {  	s5 =	simm.s32 $_size__tile_overlayer_lowered;
	s6 =	simm.s32 $_tile_overlayer_lowered  }
0x9b: {  	s22 =	simm.s32 $0x1BFF;
	s21 =	sshll.u32 s6, $0x1;
	s3 =	sadd.s32 s4, s19  }
0x9c: {  	s7 =	simm.s32 $0x0;
	s20 =	sshll.u32 s5, $0x1;
	s5 =	sadd.s32 s21, s3  }
0x9d: {  	[timem:s7], [sflag:s22] =	dma.local [hbm:s5], s20  }
0x9e: {  	_ =	swait.ge [sflag:s22], s20  }
0x9f: {  	s4 =	ssub.s32 $0x0, s20;
	[sflag:s22] =	ssyncset.done $0x0  }
0xa0: {  	[sflag:s22] =	ssyncadd.s32 s4;
	_ =	sdelay $0x1  }
0xa1: {  	s23 =	simm.s32 $0x1B8B  }
0xa2: {  	_ =	swait.ge [sflag:s23], $0x1  }
0xa3: {  	[sflag:s23] =	ssyncset.done $0x0  }
0xa4: {  	s25 =	simm.s32 $0x1B8E;
	s24 =	sld [smem:$0x3FFE];
	[sflag:s23] =	ssyncadd.s32 $0xFFFFFFFF  }
0xa5: {  	s26 =	simm.s32 $execute0_lowered;
	[smem:$0x3FD2] =	sst s25  }
0xa6: {  	s5 =	sshll.u32 s26, $0x1;
	_ =	strace $0x80000046;
	[dreg:$0x1] =	wrdreg $0xFFFFFFFF  }
0xa7: {  	s28 =	simm.s32 $_size_execute0_lowered;
	s3 =	sadd.s32 s3, s5;
	[dreg:$0x0] =	wrdreg $0x0  }
0xa8: {  	s5 =	sshll.u32 s28, $0x1;
	[dreg:$0x2] =	wrdreg s3  }
0xa9: {  	[dreg:$0x3] =	wrdreg s5  }
0xaa: {  	[dreg:$0x4] =	wrdreg $0xC0  }
0xab: {  	_ =	task [dreg:s7], $0x5FFFF  }
0xac: {  	[dreg:$0x1] =	wrdreg $0xFFFFFFFF  }
0xad: {  	[dreg:$0x0] =	wrdreg $0x60  }
0xae: {  	[dreg:$0x2] =	wrdreg s24  }
0xaf: {  	[dreg:$0x3] =	wrdreg s2  }
0xb0: {  	[dreg:$0x4] =	wrdreg $0x6C800  }
0xb1: {  	[dreg:$0x5] =	wrdreg $0x9  }
0xb2: {  	_ =	task.clear_ibuf [dreg:s7], $0x6FFFF;
	_ =	strace $0x90000046  }
0xb3: {  	s29 =	simm.s32 $0x9;
	_ =	strace $0x80000048  }
0xb4: {  	_ =	swait.ge [sflag:s29], $0x1  }
0xb5: {  	[sflag:s29] =	ssyncadd.s32 $0xFFFFFFFF  }
0xb6: {  	_ =	strace $0x90000048  }
0xb7: {  	_ =	sfence  }
0xb8: {  	s30 =	sld [smem:$0x0];
	_ =	sdelay $0x2  }
0xb9: {  	s31 =	sshll.u32 s1, $0xD;
	s1 =	sshrl.u32 s1, $0x2  }
0xba: {  	s3 =	sand.u32 $0x4000, s31;
	s1 =	sadd.s32 s1, s30  }
0xbb: {  	s0 =	sor.u32 s3, s0;
	s1 =	sshll.u32 s1, $0x11  }
0xbc: {  	s0 =	sor.u32 s1, s0  }
0xbd: {  	s0 =	sadd.s32 $0x8F2B, s0  }
0xbe: {  	[sflag:s0] =	ssyncadd.remote.s32 $0x1  }
0xbf: {  	_ =	sfence.sel $0xFFFF  }
0xc0: {  	[dreg:$0x0] =	wrdreg $0xFFFFFFFF;
	(pc) =	sbr.abs _section_cstart, $3  }
0xc1: {  	[dreg:$0x1] =	wrdreg $0xFFFFFFFF  }
0xc2: {  	_ =	task.clear_ibuf [dreg:s7], $0x2FFFF;
	_ =	strace $0x9FFFFFFF  }
0xc3: {  	(tm) =	ssettm $0x7FFFFFFF  }
tec
execute0_lowered:
.L_overlay_start_1:
0x0: {  	(tag) =	ssettag $0x1  }
0x1: {  	s0 =	rddreg [dreg:$0x0]  }
0x2: {  	s3 =	rddreg [dreg:$0x2];
	s1 =	srdreg.scid;
	s4 =	simm.s32 $0x0  }
0x3: {  	s13 =	stileid.u32;
	s1 =	sand.u32 $0x1, s1;
	[smem:$0x7FF] =	sst s4  }
0x4: {  	s7 =	smul.u32 $0x4F0, s13;
	s5 =	sadd.s32 $0xA00, s0;
	s6 =	sadd.s32 $0x139200, s0  }
0x5: {  	s19 =	sshll.u32 s13, $0x10;
	s11 =	sshll.u32 s13, $0x2;
	s10 =	sadd.s32 $0x139208, s0  }
0x6: {  	s28 =	sshllo.u32 s13, $0x2;
	s2 =	ssub.s32 $0x2, s1;
	_ =	strace $0x80000047  }
0x7: {  	s9 =	sshll.u32 s1, $0xF;
	s1 =	sshll.u32 s1, $0x12;
	s24 =	sor.u32 $0x1, s11  }
0x8: {  	s25 =	sor.u32 $0x2, s11;
	s16 =	sshll.u32 s28, $0xB;
	[dreg:$0x5] =	wrdreg s1  }
0x9: {  	s15 =	sshll.u32 s28, $0xE;
	s18 =	smin.u32 s7, $0x4930;
	[dreg:$0xd] =	wrdreg s16  }
0xa: {  	s0 =	sshll.u32 s24, $0xE;
	s1 =	sshll.u32 s25, $0xB;
	[dreg:$0x4] =	wrdreg s18  }
0xb: {  	s26 =	sshll.u32 s25, $0xE;
	s11 =	sadd.s32 s0, s3;
	[dreg:$0xb] =	wrdreg s1  }
0xc: {  	s8 =	sshrl.u32 s2, $0x1;
	s29 =	sadd.s32 s26, s3;
	[dreg:$0xa] =	wrdreg s11  }
0xd: {  	s2 =	ssub.s32 s2, s8;
	s0 =	sadd.s32 s15, s3;
	[dreg:$0xc] =	wrdreg s29  }
0xe: {  	s8 =	sadd.s32 s19, s3;
	s20 =	smax.u32 s2, $0x1;
	[dreg:$0xe] =	wrdreg s0  }
0xf: {  	s21 =	sadd.s32 $0x1000, s8;
	[dreg:$0x6] =	wrdreg s20  }
0x10: {  	s22 =	sadd.s32 $0x3000, s8;
	[dreg:$0x7] =	wrdreg s21  }
0x11: {  	s23 =	sadd.s32 $0x4000, s8;
	[dreg:$0x8] =	wrdreg s22  }
0x12: {  	s31 =	sshll.u32 s13, $0xD;
	s17 =	sadd.s32 $0x5000, s8;
	[dreg:$0x9] =	wrdreg s23  }
0x13: {  	s7 =	ssub.s32 s7, s18;
	s18 =	sadd.s32 $0x6000, s8;
	[dreg:$0xf] =	wrdreg s17  }
0x14: {  	s12 =	sor.u32 $0x4000, s9;
	s19 =	sadd.s32 $0x7000, s8;
	[dreg:$0x10] =	wrdreg s18  }
0x15: {  	s30 =	sshll.u32 s24, $0xB;
	s24 =	sadd.s32 $0xC000, s8;
	[dreg:$0x11] =	wrdreg s19  }
0x16: {  	v1 =	vmov s9;
	s9 =	simm.s32 $0x10;
	s25 =	sadd.s32 $0xD000, s8;
	[dreg:$0x16] =	wrdreg s24  }
0x17: {  	v3 =	vmov s12;
	s12 =	simm.s32 $0x8;
	s26 =	sadd.s32 $0xE000, s8;
	[dreg:$0x17] =	wrdreg s25  }
0x18: {  	s14 =	sadd.s32 $0x2000, s8;
	s28 =	sadd.s32 $0x2000, s11;
	[dreg:$0x18] =	wrdreg s26  }
0x19: {  	s1 =	sadd.s32 $0xF000, s8;
	s29 =	sadd.s32 $0x2000, s29;
	[dreg:$0x19] =	wrdreg s28  }
0x1a: {  	s0 =	sadd.s32 $0x2000, s0;
	s2 =	simm.s32 $0x3C00;
	[dreg:$0x1a] =	wrdreg s29  }
.Ltmp0:
0x1b: {  	s20 =	sadd.s32 $0x8000, s8;
	[dreg:$0x1b] =	wrdreg s0;
	(pc) =	sbr.rel .LBB2_1-.Ltmp0, $4  }
0x1c: {  	v0 =	vmov s7;
	s7 =	simm.s32 $0x5C00;
	s21 =	sadd.s32 $0x9000, s8;
	[dreg:$0x12] =	wrdreg s20  }
0x1d: {  	s22 =	sadd.s32 $0xA000, s8;
	s23 =	sadd.s32 $0xB000, s8;
	[dreg:$0x13] =	wrdreg s21  }
0x1e: {  	v2 =	vlaneseq.u32;
	s18 =	simm.s32 $0x1;
	s0 =	simm.s32 $0x0;
	[dreg:$0x14] =	wrdreg s22  }
0x1f: {  	v4 =	vimm.f32 $0.0e+00;
	v5 =	vmul.u32 $0x7, v2;
	[dreg:$0x15] =	wrdreg s23;
	s20 =	simm.s32 $0x5C80;
	s22 =	simm.s32 $0x80  }
.LBB2_17:
0x20: {  	s0 =	rddreg [dreg:$0x1c]  }
0x21: {  	s13 =	rddreg [dreg:$0x6];
	s0 =	sadd.s32 $0x1, s0  }
0x22: {  	p0 =	sne.s32 s0, s13  }
.Ltmp1:
0x23: {  	_ = 	snop;
	(pc) =	sbr.rel @!p0 .LBB2_18-.Ltmp1, $1  }
0x24: {  	_ =	sdelay $0x3  }
.LBB2_1:
0x25: {  	[dreg:$0x1c] =	wrdreg s0;
	s15 =	simm.s32 $0x100;
	s13 =	simm.s32 $0x0  }
.LBB2_2:
0x26: {  	p0 =	sne.s32 s15, $0x3F00;
	[tilespmem:s13+$0x5CB0] =	vst v4;
	s16 =	smov.u32 s15;
	s15 =	sadd.s32 $0x100, s15  }
.Ltmp2:
0x27: {  	[tilespmem:s13+$0x5CA0] =	vst v4;
	(pc) =	sbr.rel @p0 .LBB2_2-.Ltmp2, $3  }
0x28: {  	[tilespmem:s13+$0x5C80] =	vst v4  }
0x29: {  	[tilespmem:s13+$0x5C90] =	vst v4;
	_ =	sdelay $0x1  }
0x2a: {  	s13 =	sshra.s32 s16, $0x2  }
.Ltmp3:
0x2b: {  	(pc) =	sbr.rel .LBB2_4-.Ltmp3, $4  }
0x2c: {  	[tilespmem:s13+$0x5CB0] =	vst v4  }
0x2d: {  	[tilespmem:s13+$0x5CA0] =	vst v4  }
0x2e: {  	[tilespmem:s13+$0x5C80] =	vst v4  }
0x2f: {  	s0 =	simm.s32 $0x0;
	[tilespmem:s13+$0x5C90] =	vst v4;
	s13 =	simm.s32 $0x0  }
.LBB2_15:
0x30: {  	[sflag:s18] =	ssyncadd.s32 $0xFFFFE000  }
.LBB2_16:
0x31: {  	s16 =	sor.u32 $0x20000, s16  }
0x32: {  	s29 =	sor.u32 s16, s0  }
0x33: {  	[bflag:$0x0] =	sbarrier.arrive $0xFFFF;
	s30 =	sadd.s32 s6, s29  }
0x34: {  	[hbm:s30@s9], [sflag:s15] =	dma.strided [spmem:s17@s12], $0x400, s18, $0x8   }
0x35: {  	_ =	swait.ge [sflag:s18], $0x400  }
0x36: {  	[sflag:s18] =	ssyncset.done $0x0  }
0x37: {  	s29 =	sadd.s32 s29, s10;
	[sflag:s18] =	ssyncadd.s32 $0xFFFFFC00  }
0x38: {  	[hbm:s29@s9], [sflag:s15] =	dma.strided [spmem:s19@s12], $0x400, s18, $0x8   }
0x39: {  	_ =	swait.ge [sflag:s18], $0x400  }
0x3a: {  	s31 =	smov.u32 s0;
	s0 =	sor.u32 s16, s11;
	[sflag:s18] =	ssyncset.done $0x0  }
0x3b: {  	s30 =	smov.u32 s11;
	s11 =	sadd.s32 s6, s0;
	[sflag:s18] =	ssyncadd.s32 $0xFFFFFC00  }
0x3c: {  	[hbm:s11@s9], [sflag:s15] =	dma.strided [spmem:s21@s12], $0x400, s18, $0x8   }
0x3d: {  	_ =	swait.ge [sflag:s18], $0x400  }
0x3e: {  	[sflag:s18] =	ssyncset.done $0x0  }
0x3f: {  	s17 =	sadd.s32 s0, s10;
	[sflag:s18] =	ssyncadd.s32 $0xFFFFFC00  }
0x40: {  	[hbm:s17@s9], [sflag:s15] =	dma.strided [spmem:s23@s12], $0x400, s18, $0x8   }
0x41: {  	_ =	swait.ge [sflag:s18], $0x400  }
0x42: {  	s19 =	rddreg [dreg:$0xb]  }
0x43: {  	[sflag:s18] =	ssyncset.done $0x0;
	s21 =	sor.u32 s16, s19  }
0x44: {  	[sflag:s18] =	ssyncadd.s32 $0xFFFFFC00;
	s23 =	sadd.s32 s6, s21  }
0x45: {  	[hbm:s23@s9], [sflag:s15] =	dma.strided [spmem:s24@s12], $0x400, s18, $0x8   }
0x46: {  	_ =	swait.ge [sflag:s18], $0x400  }
0x47: {  	[sflag:s18] =	ssyncset.done $0x0  }
0x48: {  	s17 =	sadd.s32 s21, s10;
	[sflag:s18] =	ssyncadd.s32 $0xFFFFFC00  }
0x49: {  	[hbm:s17@s9], [sflag:s15] =	dma.strided [spmem:s25@s12], $0x400, s18, $0x8   }
0x4a: {  	_ =	swait.ge [sflag:s18], $0x400  }
0x4b: {  	s25 =	rddreg [dreg:$0xd]  }
0x4c: {  	[sflag:s18] =	ssyncset.done $0x0;
	s16 =	sor.u32 s16, s25  }
0x4d: {  	[sflag:s18] =	ssyncadd.s32 $0xFFFFFC00;
	s29 =	sadd.s32 s6, s16  }
0x4e: {  	[hbm:s29@s9], [sflag:s15] =	dma.strided [spmem:s26@s12], $0x400, s18, $0x8   }
0x4f: {  	_ =	swait.ge [sflag:s18], $0x400  }
0x50: {  	s13 =	sadd.s32 $0x1, s13;
	[sflag:s18] =	ssyncset.done $0x0  }
0x51: {  	p0 =	sne.s32 s13, $0x8;
	s16 =	sadd.s32 s16, s10;
	[sflag:s18] =	ssyncadd.s32 $0xFFFFFC00  }
0x52: {  	[hbm:s16@s9], [sflag:s15] =	dma.strided [spmem:s28@s12], $0x400, s18, $0x8   }
.Ltmp4:
0x53: {  	_ =	swait.ge [sflag:s18], $0x400;
	(pc) =	sbr.rel @!p0 .LBB2_17-.Ltmp4, $4  }
0x54: {  	[sflag:s18] =	ssyncset.done $0x0  }
0x55: {  	[sflag:s18] =	ssyncadd.s32 $0xFFFFFC00  }
0x56: {  	[bflag:$0x0] =	sbarrier.arrive $0xFFFF  }
0x57: {  	s0 =	simm.s32 $0x0  }
.LBB2_4:
0x58: {  	s16 =	smul.u32 $0x4E20, s13;
	v7 =	vmov s0  }
0x59: {  	s15 =	rddreg [dreg:$0x4];
	v7 =	vmul.u32 $0x7, v7  }
0x5a: {  	s17 =	rddreg [dreg:$0x1];
	s15 =	sadd.s32 s15, s16  }
0x5b: {  	s19 =	simm.s32 $0x10;
	s17 =	sadd.s32 s17, s15;
	v7 =	vbroadcast v7, $0x0  }
0x5c: {  	v8 =	vmov s19;
	[tilespmem:s0], [sflag:$0x1] =	stream.linear.gather [hbm4b:s17+s0], $0x2780, $0x38;
	[tilespmem:$0x16D80] =	vst v63  }
0x5d: {  	v8 =	vmul.u32 $0x7, v8;
	_ =	swait.ge [sflag:s18], $0x2780;
	v7 =	vadd.s32 v5, v7  }
0x5e: {  	v9 =	vadd.s32 s0, v2;
	v6 =	vmov s16;
	[sflag:s18] =	ssyncset.done $0x0;
	v7 =	vand.u32 $0x1FFF, v7  }
0x5f: {  	v9 =	vand.u32 $0x3F, v9;
	s17 =	simm.s32 $0x2800;
	v8 =	vbroadcast v8, $0x0;
	[sflag:s18] =	ssyncadd.s32 $0xFFFFD880;
	v7 =	vadd.s32 v6, v7  }
0x60: {  	s16 =	simm.s32 $0x3200;
	[tilespmem:s17+$0x0] =	vst v7;
	v7 =	vor.u32 $0x4000, v9  }
0x61: {  	s21 =	simm.s32 $0x2;
	s23 =	simm.s32 $0x20;
	s19 =	simm.s32 $0x1;
	[tilespmem:s16+$0x0] =	vst v7;
	v7 =	vadd.s32 v5, v8  }
.LBB2_5:
0x62: {  	v8 =	vmov s23;
	v7 =	vand.u32 $0x1FFF, v7;
	v9 =	vadd.s32 s19, v2;
	s19 =	smov.u32 s21;
	p0 =	seq.s32 s21, $0x9F  }
.Ltmp5:
0x63: {  	s21 =	sadd.s32 $0x1, s21;
	s17 =	sadd.s32 $0x10, s17;
	v8 =	vmul.u32 $0x7, v8;
	v7 =	vadd.s32 v6, v7;
	v9 =	vand.u32 $0x3F, v9;
	(pc) =	sbr.rel @!p0 .LBB2_5-.Ltmp5, $3  }
0x64: {  	s16 =	sadd.s32 $0x10, s16;
	[tilespmem:s17+$0x0] =	vst v7;
	v7 =	vor.u32 $0x4000, v9  }
0x65: {  	v8 =	vbroadcast v8, $0x0;
	[tilespmem:s16+$0x0] =	vst v7;
	_ =	sdelay $0x1  }
0x66: {  	s23 =	sadd.s32 $0x10, s23;
	v7 =	vadd.s32 v5, v8  }
0x67: {  	v7 =	vand.u32 $0x1FFF, v7;
	v8 =	vadd.s32 s19, v2  }
0x68: {  	s17 =	sadd.s32 $0x10, s17;
	v6 =	vadd.s32 v6, v7;
	v7 =	vand.u32 $0x3F, v8  }
0x69: {  	s16 =	sadd.s32 $0x10, s16;
	[tilespmem:s17+$0x0] =	vst v6;
	v6 =	vor.u32 $0x4000, v7  }
0x6a: {  	[tilespmem:s16+$0x0] =	vst v6;
	v6 =	vmov s15;
	s15 =	simm.s32 $0x0  }
0x6b: {  	v8 =	vor.u32 s15, v2  }
0x6c: {  	v7 =	vshll.u32 v8, $0x3  }
0x6d: {  	v9 =	vor.u32 $0x1, v7;
	_ =	sdelay $0x4  }
0x6e: {  	v9 =	vld.idx.msk [tilespmem:v9+s4+$0x0], $0xffff  }
0x6f: {  	v7 =	vld.idx.msk [tilespmem:v7+s4+$0x0], $0xffff;
	_ =	sdelay $0x3  }
0x70: {  	v9 =	vadd.f32 $8.388608000e+06, v9  }
0x71: {  	v7 =	vadd.f32 $8.388608000e+06, v7  }
0x72: {  	v9 =	vadd.f32 $-8.388608000e+06, v9  }
0x73: {  	v7 =	vadd.f32 $-8.388608000e+06, v7  }
0x74: {  	v9 =	vmax.f32 v9, $0.0e+00  }
0x75: {  	v7 =	vmax.f32 v7, $0.0e+00;
	v9 =	vmin.f32 v9, $2.550000000e+02  }
0x76: {  	v7 =	vmin.f32 v7, $2.550000000e+02;
	v9 =	vtrunc.f32 v9  }
0x77: {  	v7 =	vtrunc.f32 v7;
	v9 =	vcvt.f32.s32 v9  }
0x78: {  	v10 =	vmov s15;
	v7 =	vcvt.f32.s32 v7  }
0x79: {  	vm0 =	vge.u32 v8, v0;
	vm1 =	vlt.u32 v10, $0x4F0;
	v9 =	vshll.u32 v9, $0x8  }
0x7a: {  	vm0 =	vmand vm1, vm0;
	v7 =	vadd.s32 v7, v9  }
0x7b: {  	s16 =	simm.s32 $0x10;
	v9 =	vnsel vm0, $0xFFFFFFFF, v7  }
0x7c: {  	v7 =	vor.u32 s16, v2;
	v10 =	vsub.s32 v9, v1  }
0x7d: {  	v8 =	vadd.s32 v6, v8;
	v11 =	vshll.u32 v7, $0x3;
	vm0 =	vlt.u32 v10, $0x4000  }
0x7e: {  	v9 =	vsub.s32 v9, v3;
	v12 =	vor.u32 $0x1, v11;
	v13 =	vmpcnt.ones.xlane vm0  }
0x7f: {  	vm1 =	vlt.u32 v9, $0x4000;
	[tilespmem:s15+$0x2800] =	vst.msk vm0, v8  }
0x80: {  	[tilespmem:s15+$0x3200] =	vst.msk vm0, v10;
	v10 =	vmpcnt.ones.xlane vm1;
	(v2sf) =	vpush v13, $0x0  }
0x81: {  	[tilespmem:s15+$0x2D00] =	vst.msk vm1, v8  }
0x82: {  	[tilespmem:s15+$0x3700] =	vst.msk vm1, v9;
	(v2sf) =	vpush v10, $0x0  }
0x83: {  	v8 =	vld.idx.msk [tilespmem:v12+s4+$0x0], $0xffff  }
0x84: {  	v9 =	vld.idx.msk [tilespmem:v11+s4+$0x0], $0xffff;
	_ =	sdelay $0x3  }
0x85: {  	v8 =	vadd.f32 $8.388608000e+06, v8  }
0x86: {  	v9 =	vadd.f32 $8.388608000e+06, v9  }
0x87: {  	v8 =	vadd.f32 $-8.388608000e+06, v8  }
0x88: {  	v9 =	vadd.f32 $-8.388608000e+06, v9  }
0x89: {  	v8 =	vmax.f32 v8, $0.0e+00  }
0x8a: {  	v9 =	vmax.f32 v9, $0.0e+00;
	v8 =	vmin.f32 v8, $2.550000000e+02  }
0x8b: {  	v9 =	vmin.f32 v9, $2.550000000e+02;
	v8 =	vtrunc.f32 v8  }
0x8c: {  	s21 =	simm.s32 $0x20;
	s17 =	simm.s32 $0x0;
	vm0 =	vge.u32 v7, v0;
	v9 =	vtrunc.f32 v9;
	v8 =	vcvt.f32.s32 v8;
	s19 =	spop (v2sf)  }
.LBB2_7:
0x8d: {  	s15 =	sadd.s32 s15, s19  }
0x8e: {  	v10 =	vmov s16;
	v9 =	vcvt.f32.s32 v9;
	s19 =	spop (v2sf);
	s16 =	smov.u32 s21;
	s23 =	sadd.s32 $0x10, s21  }
0x8f: {  	p0 =	sne.s32 s21, $0x4F0;
	v8 =	vshll.u32 v8, $0x8;
	vm1 =	vlt.u32 v10, $0x4F0;
	s17 =	sadd.s32 s17, s19  }
0x90: {  	v8 =	vadd.s32 v9, v8;
	vm0 =	vmand vm1, vm0  }
0x91: {  	v9 =	vadd.s32 v6, v7;
	v7 =	vor.u32 s16, v2;
	v8 =	vnsel vm0, $0xFFFFFFFF, v8  }
0x92: {  	v10 =	vshll.u32 v7, $0x3;
	v11 =	vsub.s32 v8, v1;
	v8 =	vsub.s32 v8, v3  }
0x93: {  	v12 =	vor.u32 $0x1, v10;
	vm1 =	vlt.u32 v11, $0x4000;
	vm2 =	vlt.u32 v8, $0x4000  }
0x94: {  	vm0 =	vge.u32 v7, v0;
	v13 =	vmpcnt.ones.xlane vm1;
	[tilespmem:s15+$0x2800] =	vst.msk vm1, v9;
	v14 =	vmpcnt.ones.xlane vm2  }
0x95: {  	[tilespmem:s15+$0x3200] =	vst.msk vm1, v11  }
0x96: {  	[tilespmem:s17+$0x2D00] =	vst.msk vm2, v9;
	(v2sf) =	vpush v13, $0x0  }
0x97: {  	[tilespmem:s17+$0x3700] =	vst.msk vm2, v8;
	(v2sf) =	vpush v14, $0x0  }
0x98: {  	v8 =	vld.idx.msk [tilespmem:v12+s4+$0x0], $0xffff  }
0x99: {  	v9 =	vld.idx.msk [tilespmem:v10+s4+$0x0], $0xffff;
	_ =	sdelay $0x4  }
0x9a: {  	v8 =	vadd.f32 $8.388608000e+06, v8  }
0x9b: {  	v9 =	vadd.f32 $8.388608000e+06, v9  }
0x9c: {  	v8 =	vadd.f32 $-8.388608000e+06, v8  }
.Ltmp6:
0x9d: {  	v9 =	vadd.f32 $-8.388608000e+06, v9;
	(pc) =	sbr.rel @p0 .LBB2_7-.Ltmp6, $4  }
0x9e: {  	v8 =	vmax.f32 v8, $0.0e+00  }
0x9f: {  	v9 =	vmax.f32 v9, $0.0e+00;
	v8 =	vmin.f32 v8, $2.550000000e+02  }
0xa0: {  	v9 =	vmin.f32 v9, $2.550000000e+02;
	v8 =	vtrunc.f32 v8  }
0xa1: {  	s21 =	smov.u32 s23;
	v9 =	vtrunc.f32 v9;
	v8 =	vcvt.f32.s32 v8;
	s19 =	spop (v2sf)  }
0xa2: {  	v10 =	vmov s16;
	v9 =	vcvt.f32.s32 v9  }
0xa3: {  	v8 =	vshll.u32 v8, $0x8;
	vm1 =	vlt.u32 v10, $0x4F0  }
0xa4: {  	v8 =	vadd.s32 v9, v8;
	vm0 =	vmand vm1, vm0  }
0xa5: {  	v8 =	vnsel vm0, $0xFFFFFFFF, v8  }
0xa6: {  	v62 =	vsub.s32 v8, v1  }
0xa7: {  	v8 =	vsub.s32 v8, v3;
	vm14 =	vlt.u32 v62, $0x4000  }
0xa8: {  	vm15 =	vlt.u32 v8, $0x4000;
	v63 =	vmpcnt.ones.xlane vm14  }
0xa9: {  	v11 =	vmpcnt.ones.xlane vm15  }
0xaa: {  	(v2sf) =	vpush v63, $0x0  }
0xab: {  	(v2sf) =	vpush v11, $0x0;
	_ =	sdelay $0x7  }
0xac: {  	s19 =	sadd.s32 s15, s19;
	v6 =	vadd.s32 v6, v7  }
0xad: {  	s0 =	spop (v2sf);
	[tilespmem:s19+$0x2800] =	vst.msk vm14, v6  }
0xae: {  	s15 =	sadd.s32 s17, s0;
	[tilespmem:s19+$0x3200] =	vst.msk vm14, v62  }
0xaf: {  	[tilespmem:s15+$0x2D00] =	vst.msk vm15, v6  }
0xb0: {  	[tilespmem:s15+$0x3700] =	vst.msk vm15, v8  }
0xb1: {  	[spmem:s8] =	stream.linear.scatter [tilespmem:s20], [sflag:$0x1], $0x1000, $0x38;
	[tilespmem:$0x16D80] =	vst v63  }
0xb2: {  	s17 =	spop (v2sf)  }
0xb3: {  	s16 =	spop (v2sf)  }
0xb4: {  	_ =	swait.ge [sflag:s18], $0x1000  }
0xb5: {  	[sflag:s18] =	ssyncset.done $0x0  }
0xb6: {  	s0 =	rddreg [dreg:$0x7];
	[sflag:s18] =	ssyncadd.s32 $0xFFFFF000  }
0xb7: {  	[spmem:s0] =	stream.linear.scatter [tilespmem:s20], [sflag:$0x1], $0x1000, $0x38;
	[tilespmem:$0x16D80] =	vst v63  }
0xb8: {  	_ =	swait.ge [sflag:s18], $0x1000  }
0xb9: {  	[sflag:s18] =	ssyncset.done $0x0  }
0xba: {  	[sflag:s18] =	ssyncadd.s32 $0xFFFFF000  }
0xbb: {  	[spmem:s14] =	stream.linear.scatter [tilespmem:s20], [sflag:$0x1], $0x1000, $0x38;
	[tilespmem:$0x16D80] =	vst v63  }
0xbc: {  	_ =	swait.ge [sflag:s18], $0x1000  }
0xbd: {  	[sflag:s18] =	ssyncset.done $0x0  }
0xbe: {  	s11 =	rddreg [dreg:$0x8];
	[sflag:s18] =	ssyncadd.s32 $0xFFFFF000  }
0xbf: {  	[spmem:s11] =	stream.linear.scatter [tilespmem:s20], [sflag:$0x1], $0x1000, $0x38;
	[tilespmem:$0x16D80] =	vst v63  }
0xc0: {  	_ =	swait.ge [sflag:s18], $0x1000  }
0xc1: {  	[sflag:s18] =	ssyncset.done $0x0  }
0xc2: {  	s21 =	rddreg [dreg:$0x9];
	[sflag:s18] =	ssyncadd.s32 $0xFFFFF000  }
0xc3: {  	[spmem:s21] =	stream.linear.scatter [tilespmem:s20], [sflag:$0x1], $0x1000, $0x38;
	[tilespmem:$0x16D80] =	vst v63  }
0xc4: {  	_ =	swait.ge [sflag:s18], $0x1000  }
0xc5: {  	[sflag:s18] =	ssyncset.done $0x0  }
0xc6: {  	s23 =	rddreg [dreg:$0xf];
	[sflag:s18] =	ssyncadd.s32 $0xFFFFF000  }
0xc7: {  	[spmem:s23] =	stream.linear.scatter [tilespmem:s20], [sflag:$0x1], $0x1000, $0x38;
	[tilespmem:$0x16D80] =	vst v63  }
0xc8: {  	_ =	swait.ge [sflag:s18], $0x1000  }
0xc9: {  	[sflag:s18] =	ssyncset.done $0x0  }
0xca: {  	s24 =	rddreg [dreg:$0x10];
	[sflag:s18] =	ssyncadd.s32 $0xFFFFF000  }
0xcb: {  	[spmem:s24] =	stream.linear.scatter [tilespmem:s20], [sflag:$0x1], $0x1000, $0x38;
	[tilespmem:$0x16D80] =	vst v63  }
0xcc: {  	_ =	swait.ge [sflag:s18], $0x1000  }
0xcd: {  	[sflag:s18] =	ssyncset.done $0x0  }
0xce: {  	s25 =	rddreg [dreg:$0x11];
	[sflag:s18] =	ssyncadd.s32 $0xFFFFF000  }
0xcf: {  	[spmem:s25] =	stream.linear.scatter [tilespmem:s20], [sflag:$0x1], $0x1000, $0x38;
	[tilespmem:$0x16D80] =	vst v63  }
0xd0: {  	_ =	swait.ge [sflag:s18], $0x1000  }
0xd1: {  	[sflag:s18] =	ssyncset.done $0x0  }
0xd2: {  	s26 =	rddreg [dreg:$0x12];
	[sflag:s18] =	ssyncadd.s32 $0xFFFFF000  }
0xd3: {  	[spmem:s26] =	stream.linear.scatter [tilespmem:s20], [sflag:$0x1], $0x1000, $0x38;
	[tilespmem:$0x16D80] =	vst v63  }
0xd4: {  	_ =	swait.ge [sflag:s18], $0x1000  }
0xd5: {  	[sflag:s18] =	ssyncset.done $0x0  }
0xd6: {  	s28 =	rddreg [dreg:$0x13];
	[sflag:s18] =	ssyncadd.s32 $0xFFFFF000  }
0xd7: {  	[spmem:s28] =	stream.linear.scatter [tilespmem:s20], [sflag:$0x1], $0x1000, $0x38;
	[tilespmem:$0x16D80] =	vst v63  }
0xd8: {  	_ =	swait.ge [sflag:s18], $0x1000  }
0xd9: {  	[sflag:s18] =	ssyncset.done $0x0  }
0xda: {  	s11 =	rddreg [dreg:$0x14];
	[sflag:s18] =	ssyncadd.s32 $0xFFFFF000  }
0xdb: {  	[spmem:s11] =	stream.linear.scatter [tilespmem:s20], [sflag:$0x1], $0x1000, $0x38;
	[tilespmem:$0x16D80] =	vst v63  }
0xdc: {  	_ =	swait.ge [sflag:s18], $0x1000  }
0xdd: {  	[sflag:s18] =	ssyncset.done $0x0  }
0xde: {  	s21 =	rddreg [dreg:$0x15];
	[sflag:s18] =	ssyncadd.s32 $0xFFFFF000  }
0xdf: {  	[spmem:s21] =	stream.linear.scatter [tilespmem:s20], [sflag:$0x1], $0x1000, $0x38;
	[tilespmem:$0x16D80] =	vst v63  }
0xe0: {  	_ =	swait.ge [sflag:s18], $0x1000  }
0xe1: {  	s17 =	sadd.s32 s19, s17;
	[sflag:s18] =	ssyncset.done $0x0  }
0xe2: {  	s17 =	sadd.s32 $0x7F, s17;
	s23 =	rddreg [dreg:$0x16];
	[sflag:s18] =	ssyncadd.s32 $0xFFFFF000  }
0xe3: {  	[spmem:s23] =	stream.linear.scatter [tilespmem:s20], [sflag:$0x1], $0x1000, $0x38;
	[tilespmem:$0x16D80] =	vst v63  }
0xe4: {  	s26 =	sand.u32 $0x7F, s17;
	_ =	swait.ge [sflag:s18], $0x1000  }
0xe5: {  	p1 =	slt.s32 s17, $0x1;
	p0 =	sne.s32 s26, $0x0;
	[sflag:s18] =	ssyncset.done $0x0  }
0xe6: {  	s28 =	sshra.s32 s17, $0x1F;
	s24 =	rddreg [dreg:$0x17];
	[sflag:s18] =	ssyncadd.s32 $0xFFFFF000  }
0xe7: {  	[spmem:s24] =	stream.linear.scatter [tilespmem:s20], [sflag:$0x1], $0x1000, $0x38;
	[tilespmem:$0x16D80] =	vst v63  }
0xe8: {  	p0 =	por !p1, !p0;
	s19 =	sshrl.u32 s28, $0x19;
	_ =	swait.ge [sflag:s18], $0x1000  }
0xe9: {  	p0 =	por !p0, !p0;
	s17 =	sadd.s32 s19, s17;
	[sflag:s18] =	ssyncset.done $0x0  }
0xea: {  	s19 =	simm.s32 $0x1;
	s25 =	rddreg [dreg:$0x18];
	[sflag:s18] =	ssyncadd.s32 $0xFFFFF000  }
0xeb: {  	[spmem:s25] =	stream.linear.scatter [tilespmem:s20], [sflag:$0x1], $0x1000, $0x38;
	[tilespmem:$0x16D80] =	vst v63  }
0xec: {  	s17 =	sshra.s32 s17, $0x7;
	s19 =	simm.s32 @!p0 $0x0;
	_ =	swait.ge [sflag:s18], $0x1000  }
0xed: {  	s17 =	ssub.s32 s17, s19;
	[sflag:s18] =	ssyncset.done $0x0  }
0xee: {  	p0 =	slt.s32 s17, $0x1;
	[sflag:s18] =	ssyncadd.s32 $0xFFFFF000  }
0xef: {  	[spmem:s1] =	stream.linear.scatter [tilespmem:s20], [sflag:$0x1], $0x1000, $0x38;
	[tilespmem:$0x16D80] =	vst v63  }
.Ltmp7:
0xf0: {  	_ =	swait.ge [sflag:s18], $0x1000;
	(pc) =	sbr.rel @p0 .LBB2_12-.Ltmp7, $4  }
0xf1: {  	[sflag:s18] =	ssyncset.done $0x0  }
0xf2: {  	[sflag:s18] =	ssyncadd.s32 $0xFFFFF000  }
0xf3: {  	[bflag:$0x0] =	sbarrier.arrive $0xFFFF  }
0xf4: {  	s29 =	sadd.s32 s15, s16  }
0xf5: {  	s15 =	simm.s32 $0x2800  }
0xf6: {  	[tilespmem:s2], [sflag:$0x1] =	stream.indirect.gather [hbm4b:s5+s22], $0x40, s15, s22, $0xb8;
	[tilespmem:$0x16D80] =	vst v63  }
0xf7: {  	_ =	swait.ge [sflag:s18], $0x2000  }
0xf8: {  	[sflag:s18] =	ssyncset.done $0x0  }
0xf9: {  	s16 =	simm.s32 $0x3240;
	[sflag:s18] =	ssyncadd.s32 $0xFFFFE000  }
0xfa: {  	v6 =	vld [tilespmem:s16+$0xFFFFFFC0];
	_ =	sdelay $0x4  }
0xfb: {  	[tilespmem:$0x5C00] =	vst v6  }
0xfc: {  	v6 =	vld [tilespmem:s16+$0xFFFFFFD0];
	_ =	sdelay $0x4  }
0xfd: {  	[tilespmem:$0x5C10] =	vst v6  }
0xfe: {  	v6 =	vld [tilespmem:s16+$0xFFFFFFE0];
	_ =	sdelay $0x4  }
0xff: {  	[tilespmem:$0x5C20] =	vst v6  }
0x100: {  	v6 =	vld [tilespmem:s16+$0xFFFFFFF0];
	_ =	sdelay $0x4  }
0x101: {  	[tilespmem:$0x5C30] =	vst v6  }
0x102: {  	v6 =	vld [tilespmem:s16+$0x0];
	_ =	sdelay $0x4  }
0x103: {  	[tilespmem:$0x5C40] =	vst v6  }
0x104: {  	v6 =	vld [tilespmem:s16+$0x10];
	_ =	sdelay $0x4  }
0x105: {  	[tilespmem:$0x5C50] =	vst v6  }
0x106: {  	v6 =	vld [tilespmem:s16+$0x20];
	_ =	sdelay $0x4  }
0x107: {  	[tilespmem:$0x5C60] =	vst v6  }
0x108: {  	v6 =	vld [tilespmem:s16+$0x30];
	_ =	sdelay $0x2  }
0x109: {  	p0 =	sne.s32 s17, $0x1  }
.Ltmp8:
0x10a: {  	_ = 	snop;
	(pc) =	sbr.rel @!p0 .LBB2_11-.Ltmp8, $4  }
0x10b: {  	[tilespmem:$0x5C70] =	vst v6  }
0x10c: {  	[spmem:s3] =	stream.indirect.scatter.add.f32 [tilespmem:s2], [sflag:$0x1], $0x40, s7, s22, $0xb8;
	[tilespmem:$0x16D80] =	vst v63  }
0x10d: {  	_ =	swait.ge [sflag:s18], $0x2000  }
0x10e: {  	s17 =	sadd.s32 $0xFFFFFFFF, s17;
	[sflag:s18] =	ssyncset.done $0x0  }
.LBB2_10:
0x10f: {  	[sflag:s18] =	ssyncadd.s32 $0xFFFFE000;
	s15 =	sadd.s32 $0x80, s15;
	s16 =	sadd.s32 $0x80, s16  }
0x110: {  	[tilespmem:s2], [sflag:$0x1] =	stream.indirect.gather [hbm4b:s5+s22], $0x40, s15, s22, $0xb8;
	[tilespmem:$0x16D80] =	vst v63  }
0x111: {  	p0 =	sne.s32 s17, $0x1;
	s17 =	sadd.s32 $0xFFFFFFFF, s17;
	_ =	swait.ge [sflag:s18], $0x2000  }
0x112: {  	[sflag:s18] =	ssyncset.done $0x0  }
0x113: {  	[sflag:s18] =	ssyncadd.s32 $0xFFFFE000  }
0x114: {  	v6 =	vld [tilespmem:s16+$0xFFFFFFC0];
	_ =	sdelay $0x4  }
0x115: {  	[tilespmem:$0x5C00] =	vst v6  }
0x116: {  	v6 =	vld [tilespmem:s16+$0xFFFFFFD0];
	_ =	sdelay $0x4  }
0x117: {  	[tilespmem:$0x5C10] =	vst v6  }
0x118: {  	v6 =	vld [tilespmem:s16+$0xFFFFFFE0];
	_ =	sdelay $0x4  }
0x119: {  	[tilespmem:$0x5C20] =	vst v6  }
0x11a: {  	v6 =	vld [tilespmem:s16+$0xFFFFFFF0];
	_ =	sdelay $0x4  }
0x11b: {  	[tilespmem:$0x5C30] =	vst v6  }
0x11c: {  	v6 =	vld [tilespmem:s16+$0x0];
	_ =	sdelay $0x4  }
0x11d: {  	[tilespmem:$0x5C40] =	vst v6  }
0x11e: {  	v6 =	vld [tilespmem:s16+$0x10];
	_ =	sdelay $0x4  }
0x11f: {  	[tilespmem:$0x5C50] =	vst v6  }
0x120: {  	v6 =	vld [tilespmem:s16+$0x20];
	_ =	sdelay $0x4  }
0x121: {  	[tilespmem:$0x5C60] =	vst v6  }
0x122: {  	v6 =	vld [tilespmem:s16+$0x30];
	_ =	sdelay $0x3  }
.Ltmp9:
0x123: {  	(pc) =	sbr.rel @p0 .LBB2_10-.Ltmp9, $4  }
0x124: {  	[tilespmem:$0x5C70] =	vst v6  }
0x125: {  	[spmem:s3] =	stream.indirect.scatter.add.f32 [tilespmem:s2], [sflag:$0x1], $0x40, s7, s22, $0xb8;
	[tilespmem:$0x16D80] =	vst v63  }
0x126: {  	_ =	swait.ge [sflag:s18], $0x2000  }
0x127: {  	[sflag:s18] =	ssyncset.done $0x0  }
.LBB2_11:
0x128: {  	[sflag:s18] =	ssyncadd.s32 $0xFFFFE000  }
.LBB2_12:
0x129: {  	s15 =	sshll.u32 s13, $0x13;
	s16 =	rddreg [dreg:$0x5]  }
0x12a: {  	s24 =	stileid.u32;
	s16 =	sor.u32 s15, s16  }
0x12b: {  	[bflag:$0x0] =	sbarrier.arrive $0xFFFF;
	s15 =	sshll.u32 s24, $0x6;
	s19 =	sor.u32 s16, s31  }
0x12c: {  	s17 =	sshrl.u32 s8, $0x3;
	s15 =	sor.u32 $0x1C01, s15;
	s21 =	sadd.s32 s6, s19  }
0x12d: {  	[hbm:s21@s9], [sflag:s15] =	dma.strided [spmem:s17@s12], $0x400, s18, $0x8   }
0x12e: {  	_ =	swait.ge [sflag:s18], $0x400  }
0x12f: {  	[sflag:s18] =	ssyncset.done $0x0  }
0x130: {  	s25 =	sadd.s32 s19, s10;
	s19 =	sshrl.u32 s14, $0x3;
	[sflag:s18] =	ssyncadd.s32 $0xFFFFFC00  }
0x131: {  	[hbm:s25@s9], [sflag:s15] =	dma.strided [spmem:s19@s12], $0x400, s18, $0x8   }
0x132: {  	_ =	swait.ge [sflag:s18], $0x400  }
0x133: {  	s23 =	sor.u32 s16, s30;
	[sflag:s18] =	ssyncset.done $0x0;
	s26 =	rddreg [dreg:$0xa]  }
0x134: {  	s24 =	sadd.s32 s6, s23;
	[sflag:s18] =	ssyncadd.s32 $0xFFFFFC00;
	s21 =	sshrl.u32 s26, $0x3  }
0x135: {  	[hbm:s24@s9], [sflag:s15] =	dma.strided [spmem:s21@s12], $0x400, s18, $0x8   }
0x136: {  	_ =	swait.ge [sflag:s18], $0x400  }
0x137: {  	s11 =	smov.u32 s30;
	[sflag:s18] =	ssyncset.done $0x0;
	s25 =	rddreg [dreg:$0x19]  }
0x138: {  	s30 =	sadd.s32 s23, s10;
	[sflag:s18] =	ssyncadd.s32 $0xFFFFFC00;
	s23 =	sshrl.u32 s25, $0x3  }
0x139: {  	[hbm:s30@s9], [sflag:s15] =	dma.strided [spmem:s23@s12], $0x400, s18, $0x8   }
0x13a: {  	_ =	swait.ge [sflag:s18], $0x400  }
0x13b: {  	s26 =	rddreg [dreg:$0xb]  }
0x13c: {  	[sflag:s18] =	ssyncset.done $0x0;
	s30 =	rddreg [dreg:$0xc];
	s25 =	sor.u32 s16, s26  }
0x13d: {  	[sflag:s18] =	ssyncadd.s32 $0xFFFFFC00;
	s24 =	sshrl.u32 s30, $0x3;
	s26 =	sadd.s32 s6, s25  }
0x13e: {  	[hbm:s26@s9], [sflag:s15] =	dma.strided [spmem:s24@s12], $0x400, s18, $0x8   }
0x13f: {  	_ =	swait.ge [sflag:s18], $0x400  }
0x140: {  	[sflag:s18] =	ssyncset.done $0x0;
	s30 =	rddreg [dreg:$0x1a]  }
0x141: {  	s26 =	sadd.s32 s25, s10;
	[sflag:s18] =	ssyncadd.s32 $0xFFFFFC00;
	s25 =	sshrl.u32 s30, $0x3  }
0x142: {  	[hbm:s26@s9], [sflag:s15] =	dma.strided [spmem:s25@s12], $0x400, s18, $0x8   }
0x143: {  	_ =	swait.ge [sflag:s18], $0x400  }
0x144: {  	s30 =	rddreg [dreg:$0xd]  }
0x145: {  	[sflag:s18] =	ssyncset.done $0x0;
	s26 =	rddreg [dreg:$0xe];
	s28 =	sor.u32 s16, s30  }
0x146: {  	[sflag:s18] =	ssyncadd.s32 $0xFFFFFC00;
	s26 =	sshrl.u32 s26, $0x3;
	s30 =	sadd.s32 s6, s28  }
0x147: {  	[hbm:s30@s9], [sflag:s15] =	dma.strided [spmem:s26@s12], $0x400, s18, $0x8   }
0x148: {  	_ =	swait.ge [sflag:s18], $0x400  }
0x149: {  	s30 =	sadd.s32 s28, s10;
	[sflag:s18] =	ssyncset.done $0x0;
	s28 =	rddreg [dreg:$0x1b]  }
0x14a: {  	[sflag:s18] =	ssyncadd.s32 $0xFFFFFC00;
	s28 =	sshrl.u32 s28, $0x3  }
0x14b: {  	[hbm:s30@s9], [sflag:s15] =	dma.strided [spmem:s28@s12], $0x400, s18, $0x8   }
0x14c: {  	_ =	swait.ge [sflag:s18], $0x400  }
0x14d: {  	[sflag:s18] =	ssyncset.done $0x0  }
0x14e: {  	[sflag:s18] =	ssyncadd.s32 $0xFFFFFC00  }
0x14f: {  	[bflag:$0x0] =	sbarrier.arrive $0xFFFF  }
0x150: {  	[spmem:s8] =	stream.linear.scatter [tilespmem:s20], [sflag:$0x1], $0x1000, $0x38;
	[tilespmem:$0x16D80] =	vst v63  }
0x151: {  	_ =	swait.ge [sflag:s18], $0x1000  }
0x152: {  	[sflag:s18] =	ssyncset.done $0x0  }
0x153: {  	s30 =	rddreg [dreg:$0x7];
	[sflag:s18] =	ssyncadd.s32 $0xFFFFF000  }
0x154: {  	[spmem:s30] =	stream.linear.scatter [tilespmem:s20], [sflag:$0x1], $0x1000, $0x38;
	[tilespmem:$0x16D80] =	vst v63  }
0x155: {  	_ =	swait.ge [sflag:s18], $0x1000  }
0x156: {  	[sflag:s18] =	ssyncset.done $0x0  }
0x157: {  	[sflag:s18] =	ssyncadd.s32 $0xFFFFF000  }
0x158: {  	[spmem:s14] =	stream.linear.scatter [tilespmem:s20], [sflag:$0x1], $0x1000, $0x38;
	[tilespmem:$0x16D80] =	vst v63  }
0x159: {  	_ =	swait.ge [sflag:s18], $0x1000  }
0x15a: {  	[sflag:s18] =	ssyncset.done $0x0  }
0x15b: {  	s30 =	rddreg [dreg:$0x8];
	[sflag:s18] =	ssyncadd.s32 $0xFFFFF000  }
0x15c: {  	[spmem:s30] =	stream.linear.scatter [tilespmem:s20], [sflag:$0x1], $0x1000, $0x38;
	[tilespmem:$0x16D80] =	vst v63  }
0x15d: {  	_ =	swait.ge [sflag:s18], $0x1000  }
0x15e: {  	[sflag:s18] =	ssyncset.done $0x0  }
0x15f: {  	s30 =	rddreg [dreg:$0x9];
	[sflag:s18] =	ssyncadd.s32 $0xFFFFF000  }
0x160: {  	[spmem:s30] =	stream.linear.scatter [tilespmem:s20], [sflag:$0x1], $0x1000, $0x38;
	[tilespmem:$0x16D80] =	vst v63  }
0x161: {  	_ =	swait.ge [sflag:s18], $0x1000  }
0x162: {  	[sflag:s18] =	ssyncset.done $0x0  }
0x163: {  	s30 =	rddreg [dreg:$0xf];
	[sflag:s18] =	ssyncadd.s32 $0xFFFFF000  }
0x164: {  	[spmem:s30] =	stream.linear.scatter [tilespmem:s20], [sflag:$0x1], $0x1000, $0x38;
	[tilespmem:$0x16D80] =	vst v63  }
0x165: {  	_ =	swait.ge [sflag:s18], $0x1000  }
0x166: {  	[sflag:s18] =	ssyncset.done $0x0  }
0x167: {  	s30 =	rddreg [dreg:$0x10];
	[sflag:s18] =	ssyncadd.s32 $0xFFFFF000  }
0x168: {  	[spmem:s30] =	stream.linear.scatter [tilespmem:s20], [sflag:$0x1], $0x1000, $0x38;
	[tilespmem:$0x16D80] =	vst v63  }
0x169: {  	_ =	swait.ge [sflag:s18], $0x1000  }
0x16a: {  	[sflag:s18] =	ssyncset.done $0x0  }
0x16b: {  	s30 =	rddreg [dreg:$0x11];
	[sflag:s18] =	ssyncadd.s32 $0xFFFFF000  }
0x16c: {  	[spmem:s30] =	stream.linear.scatter [tilespmem:s20], [sflag:$0x1], $0x1000, $0x38;
	[tilespmem:$0x16D80] =	vst v63  }
0x16d: {  	_ =	swait.ge [sflag:s18], $0x1000  }
0x16e: {  	[sflag:s18] =	ssyncset.done $0x0  }
0x16f: {  	s30 =	rddreg [dreg:$0x12];
	[sflag:s18] =	ssyncadd.s32 $0xFFFFF000  }
0x170: {  	[spmem:s30] =	stream.linear.scatter [tilespmem:s20], [sflag:$0x1], $0x1000, $0x38;
	[tilespmem:$0x16D80] =	vst v63  }
0x171: {  	_ =	swait.ge [sflag:s18], $0x1000  }
0x172: {  	[sflag:s18] =	ssyncset.done $0x0  }
0x173: {  	s30 =	rddreg [dreg:$0x13];
	[sflag:s18] =	ssyncadd.s32 $0xFFFFF000  }
0x174: {  	[spmem:s30] =	stream.linear.scatter [tilespmem:s20], [sflag:$0x1], $0x1000, $0x38;
	[tilespmem:$0x16D80] =	vst v63  }
0x175: {  	_ =	swait.ge [sflag:s18], $0x1000  }
0x176: {  	[sflag:s18] =	ssyncset.done $0x0  }
0x177: {  	s30 =	rddreg [dreg:$0x14];
	[sflag:s18] =	ssyncadd.s32 $0xFFFFF000  }
0x178: {  	[spmem:s30] =	stream.linear.scatter [tilespmem:s20], [sflag:$0x1], $0x1000, $0x38;
	[tilespmem:$0x16D80] =	vst v63  }
0x179: {  	_ =	swait.ge [sflag:s18], $0x1000  }
0x17a: {  	[sflag:s18] =	ssyncset.done $0x0  }
0x17b: {  	s30 =	rddreg [dreg:$0x15];
	[sflag:s18] =	ssyncadd.s32 $0xFFFFF000  }
0x17c: {  	[spmem:s30] =	stream.linear.scatter [tilespmem:s20], [sflag:$0x1], $0x1000, $0x38;
	[tilespmem:$0x16D80] =	vst v63  }
0x17d: {  	_ =	swait.ge [sflag:s18], $0x1000  }
0x17e: {  	[sflag:s18] =	ssyncset.done $0x0  }
0x17f: {  	s30 =	rddreg [dreg:$0x16];
	[sflag:s18] =	ssyncadd.s32 $0xFFFFF000  }
0x180: {  	[spmem:s30] =	stream.linear.scatter [tilespmem:s20], [sflag:$0x1], $0x1000, $0x38;
	[tilespmem:$0x16D80] =	vst v63  }
0x181: {  	_ =	swait.ge [sflag:s18], $0x1000  }
0x182: {  	[sflag:s18] =	ssyncset.done $0x0  }
0x183: {  	s30 =	rddreg [dreg:$0x17];
	[sflag:s18] =	ssyncadd.s32 $0xFFFFF000  }
0x184: {  	[spmem:s30] =	stream.linear.scatter [tilespmem:s20], [sflag:$0x1], $0x1000, $0x38;
	[tilespmem:$0x16D80] =	vst v63  }
0x185: {  	_ =	swait.ge [sflag:s18], $0x1000  }
0x186: {  	[sflag:s18] =	ssyncset.done $0x0  }
0x187: {  	s29 =	sadd.s32 $0x7F, s29;
	s30 =	rddreg [dreg:$0x18];
	[sflag:s18] =	ssyncadd.s32 $0xFFFFF000  }
0x188: {  	[spmem:s30] =	stream.linear.scatter [tilespmem:s20], [sflag:$0x1], $0x1000, $0x38;
	[tilespmem:$0x16D80] =	vst v63  }
0x189: {  	p1 =	slt.s32 s29, $0x1;
	s30 =	sand.u32 $0x7F, s29;
	_ =	swait.ge [sflag:s18], $0x1000  }
0x18a: {  	p0 =	sne.s32 s30, $0x0;
	s30 =	sshra.s32 s29, $0x1F;
	[sflag:s18] =	ssyncset.done $0x0  }
0x18b: {  	s30 =	sshrl.u32 s30, $0x19;
	p0 =	por !p1, !p0;
	[sflag:s18] =	ssyncadd.s32 $0xFFFFF000  }
0x18c: {  	s29 =	sadd.s32 s30, s29;
	p0 =	por !p0, !p0;
	s30 =	simm.s32 $0x1  }
0x18d: {  	[spmem:s1] =	stream.linear.scatter [tilespmem:s20], [sflag:$0x1], $0x1000, $0x38;
	[tilespmem:$0x16D80] =	vst v63  }
0x18e: {  	s29 =	sshra.s32 s29, $0x7;
	s30 =	simm.s32 @!p0 $0x0  }
0x18f: {  	s0 =	smov.u32 s31;
	s31 =	ssub.s32 s29, s30  }
0x190: {  	p0 =	slt.s32 s31, $0x1  }
.Ltmp10:
0x191: {  	_ =	swait.ge [sflag:s18], $0x1000;
	(pc) =	sbr.rel @p0 .LBB2_16-.Ltmp10, $3  }
0x192: {  	[sflag:s18] =	ssyncset.done $0x0  }
0x193: {  	[sflag:s18] =	ssyncadd.s32 $0xFFFFF000  }
0x194: {  	[bflag:$0x0] =	sbarrier.arrive $0xFFFF;
	_ =	sdelay $0x1  }
0x195: {  	s29 =	simm.s32 $0x2D00  }
0x196: {  	[tilespmem:s2], [sflag:$0x1] =	stream.indirect.gather [hbm4b:s5+s22], $0x40, s29, s22, $0xb8;
	[tilespmem:$0x16D80] =	vst v63  }
0x197: {  	_ =	swait.ge [sflag:s18], $0x2000  }
0x198: {  	[sflag:s18] =	ssyncset.done $0x0  }
0x199: {  	s30 =	simm.s32 $0x3770;
	[sflag:s18] =	ssyncadd.s32 $0xFFFFE000  }
0x19a: {  	v6 =	vld [tilespmem:s30+$0xFFFFFF90];
	_ =	sdelay $0x4  }
0x19b: {  	[tilespmem:$0x5C00] =	vst v6  }
0x19c: {  	v6 =	vld [tilespmem:s30+$0xFFFFFFA0];
	_ =	sdelay $0x4  }
0x19d: {  	[tilespmem:$0x5C10] =	vst v6  }
0x19e: {  	v6 =	vld [tilespmem:s30+$0xFFFFFFB0];
	_ =	sdelay $0x4  }
0x19f: {  	[tilespmem:$0x5C20] =	vst v6  }
0x1a0: {  	v6 =	vld [tilespmem:s30+$0xFFFFFFC0];
	_ =	sdelay $0x4  }
0x1a1: {  	[tilespmem:$0x5C30] =	vst v6  }
0x1a2: {  	v6 =	vld [tilespmem:s30+$0xFFFFFFD0];
	_ =	sdelay $0x4  }
0x1a3: {  	[tilespmem:$0x5C40] =	vst v6  }
0x1a4: {  	v6 =	vld [tilespmem:s30+$0xFFFFFFE0];
	_ =	sdelay $0x4  }
0x1a5: {  	[tilespmem:$0x5C50] =	vst v6  }
0x1a6: {  	v6 =	vld [tilespmem:s30+$0xFFFFFFF0];
	_ =	sdelay $0x4  }
0x1a7: {  	[tilespmem:$0x5C60] =	vst v6  }
0x1a8: {  	v6 =	vld [tilespmem:s30+$0x0];
	_ =	sdelay $0x2  }
0x1a9: {  	p0 =	sne.s32 s31, $0x1  }
.Ltmp11:
0x1aa: {  	_ = 	snop;
	(pc) =	sbr.rel @!p0 .LBB2_15-.Ltmp11, $4  }
0x1ab: {  	[tilespmem:$0x5C70] =	vst v6  }
0x1ac: {  	[spmem:s3] =	stream.indirect.scatter.add.f32 [tilespmem:s2], [sflag:$0x1], $0x40, s7, s22, $0xb8;
	[tilespmem:$0x16D80] =	vst v63  }
0x1ad: {  	_ =	swait.ge [sflag:s18], $0x2000  }
0x1ae: {  	s31 =	sadd.s32 $0xFFFFFFFF, s31;
	[sflag:s18] =	ssyncset.done $0x0  }
.LBB2_14:
0x1af: {  	[sflag:s18] =	ssyncadd.s32 $0xFFFFE000;
	s29 =	sadd.s32 $0x80, s29;
	s30 =	sadd.s32 $0x80, s30  }
0x1b0: {  	[tilespmem:s2], [sflag:$0x1] =	stream.indirect.gather [hbm4b:s5+s22], $0x40, s29, s22, $0xb8;
	[tilespmem:$0x16D80] =	vst v63  }
0x1b1: {  	p0 =	sne.s32 s31, $0x1;
	s31 =	sadd.s32 $0xFFFFFFFF, s31;
	_ =	swait.ge [sflag:s18], $0x2000  }
0x1b2: {  	[sflag:s18] =	ssyncset.done $0x0  }
0x1b3: {  	[sflag:s18] =	ssyncadd.s32 $0xFFFFE000  }
0x1b4: {  	v6 =	vld [tilespmem:s30+$0xFFFFFF90];
	_ =	sdelay $0x4  }
0x1b5: {  	[tilespmem:$0x5C00] =	vst v6  }
0x1b6: {  	v6 =	vld [tilespmem:s30+$0xFFFFFFA0];
	_ =	sdelay $0x4  }
0x1b7: {  	[tilespmem:$0x5C10] =	vst v6  }
0x1b8: {  	v6 =	vld [tilespmem:s30+$0xFFFFFFB0];
	_ =	sdelay $0x4  }
0x1b9: {  	[tilespmem:$0x5C20] =	vst v6  }
0x1ba: {  	v6 =	vld [tilespmem:s30+$0xFFFFFFC0];
	_ =	sdelay $0x4  }
0x1bb: {  	[tilespmem:$0x5C30] =	vst v6  }
0x1bc: {  	v6 =	vld [tilespmem:s30+$0xFFFFFFD0];
	_ =	sdelay $0x4  }
0x1bd: {  	[tilespmem:$0x5C40] =	vst v6  }
0x1be: {  	v6 =	vld [tilespmem:s30+$0xFFFFFFE0];
	_ =	sdelay $0x4  }
0x1bf: {  	[tilespmem:$0x5C50] =	vst v6  }
0x1c0: {  	v6 =	vld [tilespmem:s30+$0xFFFFFFF0];
	_ =	sdelay $0x4  }
0x1c1: {  	[tilespmem:$0x5C60] =	vst v6  }
0x1c2: {  	v6 =	vld [tilespmem:s30+$0x0];
	_ =	sdelay $0x3  }
.Ltmp12:
0x1c3: {  	(pc) =	sbr.rel @p0 .LBB2_14-.Ltmp12, $4  }
0x1c4: {  	[tilespmem:$0x5C70] =	vst v6  }
0x1c5: {  	[spmem:s3] =	stream.indirect.scatter.add.f32 [tilespmem:s2], [sflag:$0x1], $0x40, s7, s22, $0xb8;
	[tilespmem:$0x16D80] =	vst v63  }
0x1c6: {  	_ =	swait.ge [sflag:s18], $0x2000  }
0x1c7: {  	[sflag:s18] =	ssyncset.done $0x0  }
.Ltmp13:
0x1c8: {  	_ = 	snop;
	(pc) =	sbr.rel .LBB2_15-.Ltmp13, $1  }
0x1c9: {  	_ =	sdelay $0x3  }
.LBB2_18:
0x1ca: {  	_ =	sfence.sel $0x180000  }
0x1cb: {  	[bflag:$0x0] =	sbarrier.arrive $0xFFFF  }
0x1cc: {  	_ =	strace $0x90000047  }
0x1cd: {  	s0 =	stileid.u32;
	[bflag:$0x2] =	sbarrier.arrive $0xFFFF  }
0x1ce: {  	p0 =	sne.s32 s0, $0x0;
	s0 =	rddreg [dreg:$0x3]  }
0x1cf: {  	s0 =	sadd.s32 @!p0 $0x100000, s0  }
0x1d0: {  	[sflag:s0] =	ssyncadd.tile.s32 @!p0 $0x1;
	_ =	shalt  }
.Lfunc_end2:
_tile_overlayer_lowered:
.L_overlay_start_2:
0x1d1: {  	(tag) =	ssettag $0x2  }
0x1d2: {  	s0 =	rddreg [dreg:$0x0];
	s2 =	stileid.u32  }
0x1d3: {  	s1 =	rddreg [dreg:$0x1];
	p0 =	sne.s32 s2, $0x0  }
0x1d4: {  	s3 =	rddreg [dreg:$0x2];
	[bflag:$0x3] =	sbarrier.arrive $0xFFFF;
	s2 =	simm.s32 @!p0 $0x1C01  }
0x1d5: {  	[timem:s3], [sflag:s2] =	dma.local @!p0 [hbm:s0], s1  }
0x1d6: {  	s0 =	simm.s32 @!p0 $0x1  }
0x1d7: {  	_ =	swait.ge @!p0 [sflag:s0], s1  }
0x1d8: {  	s1 =	ssub.s32 @!p0 $0x0, s1;
	[sflag:s0] =	ssyncset.done @!p0 $0x0  }
0x1d9: {  	[sflag:s0] =	ssyncadd.s32 @!p0 s1  }
0x1da: {  	[bflag:$0x3] =	sbarrier.arrive $0xFFFF  }
0x1db: {  	_ =	shalt  }

</sc_bundles>
